<compile_context>
chip_gen: v7x
topology: tpu7x:2x2x1
jax: 0.10.2.dev20260603
libtpu: 0.0.44.dev20260713+nightly
codegen_flags: <defaults>
</compile_context>

<pallas_src>
import jax
import jax.numpy as jnp
from jax.experimental import pallas as pl
from jax.experimental.pallas import tpu as pltpu
from jax.experimental.pallas import tpu_sc as plsc

_D = 512
_GROUPS = 4
_PAIRS_PER_GROUP = 16


def _body(l1_hbm, l0_hbm, out_hbm, buf, s1a, s1b, sg, so):
    c1a = pltpu.make_async_copy(l1_hbm.at[pl.ds(0, 64)], buf.at[pl.ds(0, 64)], s1a)
    c1b = pltpu.make_async_copy(l1_hbm.at[pl.ds(64, 64)], buf.at[pl.ds(64, 64)], s1b)
    c1a.start()
    c1b.start()
    groups = []
    for g in range(_GROUPS):
        grp = []
        for j in range(_PAIRS_PER_GROUP):
            k = g * _PAIRS_PER_GROUP + j
            grp.append(
                pltpu.make_async_copy(
                    l0_hbm.at[pl.ds(4 * k, 2)],
                    buf.at[pl.ds(128 + 2 * k, 2)],
                    sg[g],
                )
            )
        groups.append(grp)
    for grp in groups:
        for c in grp:
            c.start()

    outs = []
    c1a.wait()
    o = pltpu.make_async_copy(buf.at[pl.ds(0, 64)], out_hbm.at[pl.ds(0, 64)], so)
    o.start()
    outs.append(o)
    c1b.wait()
    o = pltpu.make_async_copy(buf.at[pl.ds(64, 64)], out_hbm.at[pl.ds(64, 64)], so)
    o.start()
    outs.append(o)
    for g, grp in enumerate(groups):
        for c in grp:
            c.wait()
        base = 128 + g * 2 * _PAIRS_PER_GROUP
        o = pltpu.make_async_copy(
            buf.at[pl.ds(base, 2 * _PAIRS_PER_GROUP)],
            out_hbm.at[pl.ds(base, 2 * _PAIRS_PER_GROUP)],
            so,
        )
        o.start()
        outs.append(o)
    for o in outs:
        o.wait()


@jax.jit
def kernel(layer1, layer0):
    mesh = plsc.ScalarSubcoreMesh(axis_name="c", num_cores=1)
    f = pl.kernel(
        _body,
        out_type=jax.ShapeDtypeStruct((256, _D), jnp.float32),
        mesh=mesh,
        scratch_types=[
            pltpu.VMEM_SHARED((256, _D), jnp.float32),
            pltpu.SemaphoreType.DMA,
            pltpu.SemaphoreType.DMA,
            [pltpu.SemaphoreType.DMA] * _GROUPS,
            pltpu.SemaphoreType.DMA,
        ],
    )
    return f(layer1, layer0)

# --- scband reference (transcript-rebuilt; emitter-appended) ---
"""Pipeline reference for scband-multi-layer-set-gather-86311662780474 (READ-ONLY COPY).

The authoritative reference and input builder live on the scoring server;
editing this copy changes nothing except your own understanding.
"""

import jax, jax.numpy as jnp
import numpy as np

# Layer 0 ordinals: irregular pattern 0,1,4,5,8,9,... (GenericGather in the torch module)
ORD0 = np.array([4 * (i // 2) + (i % 2) for i in range(128)], dtype=np.int32)
# Layer 1 ordinals 0..127 are contiguous -> SliceValues(0, 128)
SLICE1_START, SLICE1_END = 0, 128


def setup_inputs(seed: int = 0) -> dict:
    key = jax.random.key(seed)
    k1, k0 = jax.random.split(key)
    layer1 = jax.random.normal(k1, (16384, 512), dtype=jnp.float32)
    layer0 = jax.random.normal(k0, (16384, 512), dtype=jnp.float32)
    return {"layer1": layer1, "layer0": layer0}


def reference(layer1, layer0):
    # MultiLayerSetGather.forward with layer_values = {1: layer1, 0: layer0}
    # self.layers sorted descending -> [1, 0]
    # layer 1 gather: SliceValues(0, 128)
    x1 = layer1[SLICE1_START:SLICE1_END]
    # layer 0 gather: GenericGather(ORD0) == torch.index_select(layer0, 0, ordinals)
    x0 = jnp.take(layer0, jnp.asarray(ORD0), axis=0)
    # trailing shapes are identical ([512]); broadcast_shapes + expand is a no-op here
    x = jnp.concatenate([x1, x0], axis=0)
    return x

if __name__ == "__main__":
    import jax
    _d = setup_inputs()
    print(jax.jit(kernel)(*tuple(_d.values())))

</pallas_src>

<mosaic_0001>
#map = affine_map<(d0) -> (0, 0)>
module attributes {stable_mosaic.version = 14 : i64} {
  func.func @_body(%arg0: i32, %arg1: memref<16384x512xf32, #tpu.memory_space<hbm>>, %arg2: memref<16384x512xf32, #tpu.memory_space<hbm>>, %arg3: memref<256x512xf32, #tpu.memory_space<hbm>>, %arg4: memref<256x512xf32, #tpu.memory_space<vmem_shared>>, %arg5: memref<!tpu.dma_semaphore, #tpu.memory_space<semaphore_mem>>, %arg6: memref<!tpu.dma_semaphore, #tpu.memory_space<semaphore_mem>>, %arg7: memref<!tpu.dma_semaphore, #tpu.memory_space<semaphore_mem>>, %arg8: memref<!tpu.dma_semaphore, #tpu.memory_space<semaphore_mem>>, %arg9: memref<!tpu.dma_semaphore, #tpu.memory_space<semaphore_mem>>, %arg10: memref<!tpu.dma_semaphore, #tpu.memory_space<semaphore_mem>>, %arg11: memref<!tpu.dma_semaphore, #tpu.memory_space<semaphore_mem>>) attributes {dimension_semantics = [#tpu.dimension_semantics<core_parallel>], iteration_bounds = array<i64: 1>, scalar_prefetch = 0 : i64, scratch_operands = 8 : i64, tpu.core_type = #tpu.core_type<sc_scalar_subcore>, window_params = [{transform_indices = #map}, {transform_indices = #map}, {transform_indices = #map}]} {
    %dma_start3A = arith.constant 0 : i32
    %dma_start3A_0 = arith.constant 0 : i32
    %dma_start3A_1 = tpu.memref_slice %arg4[%dma_start3A, %dma_start3A_0] : memref<256x512xf32, #tpu.memory_space<vmem_shared>> -> memref<64x512xf32, #tpu.memory_space<vmem_shared>>
    %dma_start3A_2 = arith.constant 0 : i32
    %dma_start3A_3 = arith.constant 0 : i32
    %dma_start3A_4 = tpu.memref_slice %arg1[%dma_start3A_2, %dma_start3A_3] : memref<16384x512xf32, #tpu.memory_space<hbm>> -> memref<64x512xf32, #tpu.memory_space<hbm>>
    tpu.enqueue_dma source(%dma_start3A_4 : memref<64x512xf32, #tpu.memory_space<hbm>>) target(%dma_start3A_1 : memref<64x512xf32, #tpu.memory_space<vmem_shared>>) target_semaphore(%arg5 : memref<!tpu.dma_semaphore, #tpu.memory_space<semaphore_mem>>)
    %dma_start3A_5 = arith.constant 64 : i32
    %dma_start3A_6 = arith.constant 0 : i32
    %dma_start3A_7 = tpu.memref_slice %arg4[%dma_start3A_5, %dma_start3A_6] : memref<256x512xf32, #tpu.memory_space<vmem_shared>> -> memref<64x512xf32, #tpu.memory_space<vmem_shared>>
    %dma_start3A_8 = arith.constant 64 : i32
    %dma_start3A_9 = arith.constant 0 : i32
    %dma_start3A_10 = tpu.memref_slice %arg1[%dma_start3A_8, %dma_start3A_9] : memref<16384x512xf32, #tpu.memory_space<hbm>> -> memref<64x512xf32, #tpu.memory_space<hbm>>
    tpu.enqueue_dma source(%dma_start3A_10 : memref<64x512xf32, #tpu.memory_space<hbm>>) target(%dma_start3A_7 : memref<64x512xf32, #tpu.memory_space<vmem_shared>>) target_semaphore(%arg6 : memref<!tpu.dma_semaphore, #tpu.memory_space<semaphore_mem>>)
    %dma_start3A_11 = arith.constant 128 : i32
    %dma_start3A_12 = arith.constant 0 : i32
    %dma_start3A_13 = tpu.memref_slice %arg4[%dma_start3A_11, %dma_start3A_12] : memref<256x512xf32, #tpu.memory_space<vmem_shared>> -> memref<2x512xf32, #tpu.memory_space<vmem_shared>>
    %dma_start3A_14 = arith.constant 0 : i32
    %dma_start3A_15 = arith.constant 0 : i32
    %dma_start3A_16 = tpu.memref_slice %arg2[%dma_start3A_14, %dma_start3A_15] : memref<16384x512xf32, #tpu.memory_space<hbm>> -> memref<2x512xf32, #tpu.memory_space<hbm>>
    tpu.enqueue_dma source(%dma_start3A_16 : memref<2x512xf32, #tpu.memory_space<hbm>>) target(%dma_start3A_13 : memref<2x512xf32, #tpu.memory_space<vmem_shared>>) target_semaphore(%arg7 : memref<!tpu.dma_semaphore, #tpu.memory_space<semaphore_mem>>)
    %dma_start3A_17 = arith.constant 130 : i32
    %dma_start3A_18 = arith.constant 0 : i32
    %dma_start3A_19 = tpu.memref_slice %arg4[%dma_start3A_17, %dma_start3A_18] : memref<256x512xf32, #tpu.memory_space<vmem_shared>> -> memref<2x512xf32, #tpu.memory_space<vmem_shared>>
    %dma_start3A_20 = arith.constant 4 : i32
    %dma_start3A_21 = arith.constant 0 : i32
    %dma_start3A_22 = tpu.memref_slice %arg2[%dma_start3A_20, %dma_start3A_21] : memref<16384x512xf32, #tpu.memory_space<hbm>> -> memref<2x512xf32, #tpu.memory_space<hbm>>
    tpu.enqueue_dma source(%dma_start3A_22 : memref<2x512xf32, #tpu.memory_space<hbm>>) target(%dma_start3A_19 : memref<2x512xf32, #tpu.memory_space<vmem_shared>>) target_semaphore(%arg7 : memref<!tpu.dma_semaphore, #tpu.memory_space<semaphore_mem>>)
    %dma_start3A_23 = arith.constant 132 : i32
    %dma_start3A_24 = arith.constant 0 : i32
    %dma_start3A_25 = tpu.memref_slice %arg4[%dma_start3A_23, %dma_start3A_24] : memref<256x512xf32, #tpu.memory_space<vmem_shared>> -> memref<2x512xf32, #tpu.memory_space<vmem_shared>>
    %dma_start3A_26 = arith.constant 8 : i32
    %dma_start3A_27 = arith.constant 0 : i32
    %dma_start3A_28 = tpu.memref_slice %arg2[%dma_start3A_26, %dma_start3A_27] : memref<16384x512xf32, #tpu.memory_space<hbm>> -> memref<2x512xf32, #tpu.memory_space<hbm>>
    tpu.enqueue_dma source(%dma_start3A_28 : memref<2x512xf32, #tpu.memory_space<hbm>>) target(%dma_start3A_25 : memref<2x512xf32, #tpu.memory_space<vmem_shared>>) target_semaphore(%arg7 : memref<!tpu.dma_semaphore, #tpu.memory_space<semaphore_mem>>)
    %dma_start3A_29 = arith.constant 134 : i32
    %dma_start3A_30 = arith.constant 0 : i32
    %dma_start3A_31 = tpu.memref_slice %arg4[%dma_start3A_29, %dma_start3A_30] : memref<256x512xf32, #tpu.memory_space<vmem_shared>> -> memref<2x512xf32, #tpu.memory_space<vmem_shared>>
    %dma_start3A_32 = arith.constant 12 : i32
    %dma_start3A_33 = arith.constant 0 : i32
    %dma_start3A_34 = tpu.memref_slice %arg2[%dma_start3A_32, %dma_start3A_33] : memref<16384x512xf32, #tpu.memory_space<hbm>> -> memref<2x512xf32, #tpu.memory_space<hbm>>
    tpu.enqueue_dma source(%dma_start3A_34 : memref<2x512xf32, #tpu.memory_space<hbm>>) target(%dma_start3A_31 : memref<2x512xf32, #tpu.memory_space<vmem_shared>>) target_semaphore(%arg7 : memref<!tpu.dma_semaphore, #tpu.memory_space<semaphore_mem>>)
    %dma_start3A_35 = arith.constant 136 : i32
    %dma_start3A_36 = arith.constant 0 : i32
    %dma_start3A_37 = tpu.memref_slice %arg4[%dma_start3A_35, %dma_start3A_36] : memref<256x512xf32, #tpu.memory_space<vmem_shared>> -> memref<2x512xf32, #tpu.memory_space<vmem_shared>>
    %dma_start3A_38 = arith.constant 16 : i32
    %dma_start3A_39 = arith.constant 0 : i32
    %dma_start3A_40 = tpu.memref_slice %arg2[%dma_start3A_38, %dma_start3A_39] : memref<16384x512xf32, #tpu.memory_space<hbm>> -> memref<2x512xf32, #tpu.memory_space<hbm>>
    tpu.enqueue_dma source(%dma_start3A_40 : memref<2x512xf32, #tpu.memory_space<hbm>>) target(%dma_start3A_37 : memref<2x512xf32, #tpu.memory_space<vmem_shared>>) target_semaphore(%arg7 : memref<!tpu.dma_semaphore, #tpu.memory_space<semaphore_mem>>)
    %dma_start3A_41 = arith.constant 138 : i32
    %dma_start3A_42 = arith.constant 0 : i32
    %dma_start3A_43 = tpu.memref_slice %arg4[%dma_start3A_41, %dma_start3A_42] : memref<256x512xf32, #tpu.memory_space<vmem_shared>> -> memref<2x512xf32, #tpu.memory_space<vmem_shared>>
    %dma_start3A_44 = arith.constant 20 : i32
    %dma_start3A_45 = arith.constant 0 : i32
    %dma_start3A_46 = tpu.memref_slice %arg2[%dma_start3A_44, %dma_start3A_45] : memref<16384x512xf32, #tpu.memory_space<hbm>> -> memref<2x512xf32, #tpu.memory_space<hbm>>
    tpu.enqueue_dma source(%dma_start3A_46 : memref<2x512xf32, #tpu.memory_space<hbm>>) target(%dma_start3A_43 : memref<2x512xf32, #tpu.memory_space<vmem_shared>>) target_semaphore(%arg7 : memref<!tpu.dma_semaphore, #tpu.memory_space<semaphore_mem>>)
    %dma_start3A_47 = arith.constant 140 : i32
    %dma_start3A_48 = arith.constant 0 : i32
    %dma_start3A_49 = tpu.memref_slice %arg4[%dma_start3A_47, %dma_start3A_48] : memref<256x512xf32, #tpu.memory_space<vmem_shared>> -> memref<2x512xf32, #tpu.memory_space<vmem_shared>>
    %dma_start3A_50 = arith.constant 24 : i32
    %dma_start3A_51 = arith.constant 0 : i32
    %dma_start3A_52 = tpu.memref_slice %arg2[%dma_start3A_50, %dma_start3A_51] : memref<16384x512xf32, #tpu.memory_space<hbm>> -> memref<2x512xf32, #tpu.memory_space<hbm>>
    tpu.enqueue_dma source(%dma_start3A_52 : memref<2x512xf32, #tpu.memory_space<hbm>>) target(%dma_start3A_49 : memref<2x512xf32, #tpu.memory_space<vmem_shared>>) target_semaphore(%arg7 : memref<!tpu.dma_semaphore, #tpu.memory_space<semaphore_mem>>)
    %dma_start3A_53 = arith.constant 142 : i32
    %dma_start3A_54 = arith.constant 0 : i32
    %dma_start3A_55 = tpu.memref_slice %arg4[%dma_start3A_53, %dma_start3A_54] : memref<256x512xf32, #tpu.memory_space<vmem_shared>> -> memref<2x512xf32, #tpu.memory_space<vmem_shared>>
    %dma_start3A_56 = arith.constant 28 : i32
    %dma_start3A_57 = arith.constant 0 : i32
    %dma_start3A_58 = tpu.memref_slice %arg2[%dma_start3A_56, %dma_start3A_57] : memref<16384x512xf32, #tpu.memory_space<hbm>> -> memref<2x512xf32, #tpu.memory_space<hbm>>
    tpu.enqueue_dma source(%dma_start3A_58 : memref<2x512xf32, #tpu.memory_space<hbm>>) target(%dma_start3A_55 : memref<2x512xf32, #tpu.memory_space<vmem_shared>>) target_semaphore(%arg7 : memref<!tpu.dma_semaphore, #tpu.memory_space<semaphore_mem>>)
    %dma_start3A_59 = arith.constant 144 : i32
    %dma_start3A_60 = arith.constant 0 : i32
    %dma_start3A_61 = tpu.memref_slice %arg4[%dma_start3A_59, %dma_start3A_60] : memref<256x512xf32, #tpu.memory_space<vmem_shared>> -> memref<2x512xf32, #tpu.memory_space<vmem_shared>>
    %dma_start3A_62 = arith.constant 32 : i32
    %dma_start3A_63 = arith.constant 0 : i32
    %dma_start3A_64 = tpu.memref_slice %arg2[%dma_start3A_62, %dma_start3A_63] : memref<16384x512xf32, #tpu.memory_space<hbm>> -> memref<2x512xf32, #tpu.memory_space<hbm>>
    tpu.enqueue_dma source(%dma_start3A_64 : memref<2x512xf32, #tpu.memory_space<hbm>>) target(%dma_start3A_61 : memref<2x512xf32, #tpu.memory_space<vmem_shared>>) target_semaphore(%arg7 : memref<!tpu.dma_semaphore, #tpu.memory_space<semaphore_mem>>)
    %dma_start3A_65 = arith.constant 146 : i32
    %dma_start3A_66 = arith.constant 0 : i32
    %dma_start3A_67 = tpu.memref_slice %arg4[%dma_start3A_65, %dma_start3A_66] : memref<256x512xf32, #tpu.memory_space<vmem_shared>> -> memref<2x512xf32, #tpu.memory_space<vmem_shared>>
    %dma_start3A_68 = arith.constant 36 : i32
    %dma_start3A_69 = arith.constant 0 : i32
    %dma_start3A_70 = tpu.memref_slice %arg2[%dma_start3A_68, %dma_start3A_69] : memref<16384x512xf32, #tpu.memory_space<hbm>> -> memref<2x512xf32, #tpu.memory_space<hbm>>
    tpu.enqueue_dma source(%dma_start3A_70 : memref<2x512xf32, #tpu.memory_space<hbm>>) target(%dma_start3A_67 : memref<2x512xf32, #tpu.memory_space<vmem_shared>>) target_semaphore(%arg7 : memref<!tpu.dma_semaphore, #tpu.memory_space<semaphore_mem>>)
    %dma_start3A_71 = arith.constant 148 : i32
    %dma_start3A_72 = arith.constant 0 : i32
    %dma_start3A_73 = tpu.memref_slice %arg4[%dma_start3A_71, %dma_start3A_72] : memref<256x512xf32, #tpu.memory_space<vmem_shared>> -> memref<2x512xf32, #tpu.memory_space<vmem_shared>>
    %dma_start3A_74 = arith.constant 40 : i32
    %dma_start3A_75 = arith.constant 0 : i32
    %dma_start3A_76 = tpu.memref_slice %arg2[%dma_start3A_74, %dma_start3A_75] : memref<16384x512xf32, #tpu.memory_space<hbm>> -> memref<2x512xf32, #tpu.memory_space<hbm>>
    tpu.enqueue_dma source(%dma_start3A_76 : memref<2x512xf32, #tpu.memory_space<hbm>>) target(%dma_start3A_73 : memref<2x512xf32, #tpu.memory_space<vmem_shared>>) target_semaphore(%arg7 : memref<!tpu.dma_semaphore, #tpu.memory_space<semaphore_mem>>)
    %dma_start3A_77 = arith.constant 150 : i32
    %dma_start3A_78 = arith.constant 0 : i32
    %dma_start3A_79 = tpu.memref_slice %arg4[%dma_start3A_77, %dma_start3A_78] : memref<256x512xf32, #tpu.memory_space<vmem_shared>> -> memref<2x512xf32, #tpu.memory_space<vmem_shared>>
    %dma_start3A_80 = arith.constant 44 : i32
    %dma_start3A_81 = arith.constant 0 : i32
    %dma_start3A_82 = tpu.memref_slice %arg2[%dma_start3A_80, %dma_start3A_81] : memref<16384x512xf32, #tpu.memory_space<hbm>> -> memref<2x512xf32, #tpu.memory_space<hbm>>
    tpu.enqueue_dma source(%dma_start3A_82 : memref<2x512xf32, #tpu.memory_space<hbm>>) target(%dma_start3A_79 : memref<2x512xf32, #tpu.memory_space<vmem_shared>>) target_semaphore(%arg7 : memref<!tpu.dma_semaphore, #tpu.memory_space<semaphore_mem>>)
    %dma_start3A_83 = arith.constant 152 : i32
    %dma_start3A_84 = arith.constant 0 : i32
    %dma_start3A_85 = tpu.memref_slice %arg4[%dma_start3A_83, %dma_start3A_84] : memref<256x512xf32, #tpu.memory_space<vmem_shared>> -> memref<2x512xf32, #tpu.memory_space<vmem_shared>>
    %dma_start3A_86 = arith.constant 48 : i32
    %dma_start3A_87 = arith.constant 0 : i32
    %dma_start3A_88 = tpu.memref_slice %arg2[%dma_start3A_86, %dma_start3A_87] : memref<16384x512xf32, #tpu.memory_space<hbm>> -> memref<2x512xf32, #tpu.memory_space<hbm>>
    tpu.enqueue_dma source(%dma_start3A_88 : memref<2x512xf32, #tpu.memory_space<hbm>>) target(%dma_start3A_85 : memref<2x512xf32, #tpu.memory_space<vmem_shared>>) target_semaphore(%arg7 : memref<!tpu.dma_semaphore, #tpu.memory_space<semaphore_mem>>)
    %dma_start3A_89 = arith.constant 154 : i32
    %dma_start3A_90 = arith.constant 0 : i32
    %dma_start3A_91 = tpu.memref_slice %arg4[%dma_start3A_89, %dma_start3A_90] : memref<256x512xf32, #tpu.memory_space<vmem_shared>> -> memref<2x512xf32, #tpu.memory_space<vmem_shared>>
    %dma_start3A_92 = arith.constant 52 : i32
    %dma_start3A_93 = arith.constant 0 : i32
    %dma_start3A_94 = tpu.memref_slice %arg2[%dma_start3A_92, %dma_start3A_93] : memref<16384x512xf32, #tpu.memory_space<hbm>> -> memref<2x512xf32, #tpu.memory_space<hbm>>
    tpu.enqueue_dma source(%dma_start3A_94 : memref<2x512xf32, #tpu.memory_space<hbm>>) target(%dma_start3A_91 : memref<2x512xf32, #tpu.memory_space<vmem_shared>>) target_semaphore(%arg7 : memref<!tpu.dma_semaphore, #tpu.memory_space<semaphore_mem>>)
    %dma_start3A_95 = arith.constant 156 : i32
    %dma_start3A_96 = arith.constant 0 : i32
    %dma_start3A_97 = tpu.memref_slice %arg4[%dma_start3A_95, %dma_start3A_96] : memref<256x512xf32, #tpu.memory_space<vmem_shared>> -> memref<2x512xf32, #tpu.memory_space<vmem_shared>>
    %dma_start3A_98 = arith.constant 56 : i32
    %dma_start3A_99 = arith.constant 0 : i32
    %dma_start3A_100 = tpu.memref_slice %arg2[%dma_start3A_98, %dma_start3A_99] : memref<16384x512xf32, #tpu.memory_space<hbm>> -> memref<2x512xf32, #tpu.memory_space<hbm>>
    tpu.enqueue_dma source(%dma_start3A_100 : memref<2x512xf32, #tpu.memory_space<hbm>>) target(%dma_start3A_97 : memref<2x512xf32, #tpu.memory_space<vmem_shared>>) target_semaphore(%arg7 : memref<!tpu.dma_semaphore, #tpu.memory_space<semaphore_mem>>)
    %dma_start3A_101 = arith.constant 158 : i32
    %dma_start3A_102 = arith.constant 0 : i32
    %dma_start3A_103 = tpu.memref_slice %arg4[%dma_start3A_101, %dma_start3A_102] : memref<256x512xf32, #tpu.memory_space<vmem_shared>> -> memref<2x512xf32, #tpu.memory_space<vmem_shared>>
    %dma_start3A_104 = arith.constant 60 : i32
    %dma_start3A_105 = arith.constant 0 : i32
    %dma_start3A_106 = tpu.memref_slice %arg2[%dma_start3A_104, %dma_start3A_105] : memref<16384x512xf32, #tpu.memory_space<hbm>> -> memref<2x512xf32, #tpu.memory_space<hbm>>
    tpu.enqueue_dma source(%dma_start3A_106 : memref<2x512xf32, #tpu.memory_space<hbm>>) target(%dma_start3A_103 : memref<2x512xf32, #tpu.memory_space<vmem_shared>>) target_semaphore(%arg7 : memref<!tpu.dma_semaphore, #tpu.memory_space<semaphore_mem>>)
    %dma_start3A_107 = arith.constant 160 : i32
    %dma_start3A_108 = arith.constant 0 : i32
    %dma_start3A_109 = tpu.memref_slice %arg4[%dma_start3A_107, %dma_start3A_108] : memref<256x512xf32, #tpu.memory_space<vmem_shared>> -> memref<2x512xf32, #tpu.memory_space<vmem_shared>>
    %dma_start3A_110 = arith.constant 64 : i32
    %dma_start3A_111 = arith.constant 0 : i32
    %dma_start3A_112 = tpu.memref_slice %arg2[%dma_start3A_110, %dma_start3A_111] : memref<16384x512xf32, #tpu.memory_space<hbm>> -> memref<2x512xf32, #tpu.memory_space<hbm>>
    tpu.enqueue_dma source(%dma_start3A_112 : memref<2x512xf32, #tpu.memory_space<hbm>>) target(%dma_start3A_109 : memref<2x512xf32, #tpu.memory_space<vmem_shared>>) target_semaphore(%arg8 : memref<!tpu.dma_semaphore, #tpu.memory_space<semaphore_mem>>)
    %dma_start3A_113 = arith.constant 162 : i32
    %dma_start3A_114 = arith.constant 0 : i32
    %dma_start3A_115 = tpu.memref_slice %arg4[%dma_start3A_113, %dma_start3A_114] : memref<256x512xf32, #tpu.memory_space<vmem_shared>> -> memref<2x512xf32, #tpu.memory_space<vmem_shared>>
    %dma_start3A_116 = arith.constant 68 : i32
    %dma_start3A_117 = arith.constant 0 : i32
    %dma_start3A_118 = tpu.memref_slice %arg2[%dma_start3A_116, %dma_start3A_117] : memref<16384x512xf32, #tpu.memory_space<hbm>> -> memref<2x512xf32, #tpu.memory_space<hbm>>
    tpu.enqueue_dma source(%dma_start3A_118 : memref<2x512xf32, #tpu.memory_space<hbm>>) target(%dma_start3A_115 : memref<2x512xf32, #tpu.memory_space<vmem_shared>>) target_semaphore(%arg8 : memref<!tpu.dma_semaphore, #tpu.memory_space<semaphore_mem>>)
    %dma_start3A_119 = arith.constant 164 : i32
    %dma_start3A_120 = arith.constant 0 : i32
    %dma_start3A_121 = tpu.memref_slice %arg4[%dma_start3A_119, %dma_start3A_120] : memref<256x512xf32, #tpu.memory_space<vmem_shared>> -> memref<2x512xf32, #tpu.memory_space<vmem_shared>>
    %dma_start3A_122 = arith.constant 72 : i32
    %dma_start3A_123 = arith.constant 0 : i32
    %dma_start3A_124 = tpu.memref_slice %arg2[%dma_start3A_122, %dma_start3A_123] : memref<16384x512xf32, #tpu.memory_space<hbm>> -> memref<2x512xf32, #tpu.memory_space<hbm>>
    tpu.enqueue_dma source(%dma_start3A_124 : memref<2x512xf32, #tpu.memory_space<hbm>>) target(%dma_start3A_121 : memref<2x512xf32, #tpu.memory_space<vmem_shared>>) target_semaphore(%arg8 : memref<!tpu.dma_semaphore, #tpu.memory_space<semaphore_mem>>)
    %dma_start3A_125 = arith.constant 166 : i32
    %dma_start3A_126 = arith.constant 0 : i32
    %dma_start3A_127 = tpu.memref_slice %arg4[%dma_start3A_125, %dma_start3A_126] : memref<256x512xf32, #tpu.memory_space<vmem_shared>> -> memref<2x512xf32, #tpu.memory_space<vmem_shared>>
    %dma_start3A_128 = arith.constant 76 : i32
    %dma_start3A_129 = arith.constant 0 : i32
    %dma_start3A_130 = tpu.memref_slice %arg2[%dma_start3A_128, %dma_start3A_129] : memref<16384x512xf32, #tpu.memory_space<hbm>> -> memref<2x512xf32, #tpu.memory_space<hbm>>
    tpu.enqueue_dma source(%dma_start3A_130 : memref<2x512xf32, #tpu.memory_space<hbm>>) target(%dma_start3A_127 : memref<2x512xf32, #tpu.memory_space<vmem_shared>>) target_semaphore(%arg8 : memref<!tpu.dma_semaphore, #tpu.memory_space<semaphore_mem>>)
    %dma_start3A_131 = arith.constant 168 : i32
    %dma_start3A_132 = arith.constant 0 : i32
    %dma_start3A_133 = tpu.memref_slice %arg4[%dma_start3A_131, %dma_start3A_132] : memref<256x512xf32, #tpu.memory_space<vmem_shared>> -> memref<2x512xf32, #tpu.memory_space<vmem_shared>>
    %dma_start3A_134 = arith.constant 80 : i32
    %dma_start3A_135 = arith.constant 0 : i32
    %dma_start3A_136 = tpu.memref_slice %arg2[%dma_start3A_134, %dma_start3A_135] : memref<16384x512xf32, #tpu.memory_space<hbm>> -> memref<2x512xf32, #tpu.memory_space<hbm>>
    tpu.enqueue_dma source(%dma_start3A_136 : memref<2x512xf32, #tpu.memory_space<hbm>>) target(%dma_start3A_133 : memref<2x512xf32, #tpu.memory_space<vmem_shared>>) target_semaphore(%arg8 : memref<!tpu.dma_semaphore, #tpu.memory_space<semaphore_mem>>)
    %dma_start3A_137 = arith.constant 170 : i32
    %dma_start3A_138 = arith.constant 0 : i32
    %dma_start3A_139 = tpu.memref_slice %arg4[%dma_start3A_137, %dma_start3A_138] : memref<256x512xf32, #tpu.memory_space<vmem_shared>> -> memref<2x512xf32, #tpu.memory_space<vmem_shared>>
    %dma_start3A_140 = arith.constant 84 : i32
    %dma_start3A_141 = arith.constant 0 : i32
    %dma_start3A_142 = tpu.memref_slice %arg2[%dma_start3A_140, %dma_start3A_141] : memref<16384x512xf32, #tpu.memory_space<hbm>> -> memref<2x512xf32, #tpu.memory_space<hbm>>
    tpu.enqueue_dma source(%dma_start3A_142 : memref<2x512xf32, #tpu.memory_space<hbm>>) target(%dma_start3A_139 : memref<2x512xf32, #tpu.memory_space<vmem_shared>>) target_semaphore(%arg8 : memref<!tpu.dma_semaphore, #tpu.memory_space<semaphore_mem>>)
    %dma_start3A_143 = arith.constant 172 : i32
    %dma_start3A_144 = arith.constant 0 : i32
    %dma_start3A_145 = tpu.memref_slice %arg4[%dma_start3A_143, %dma_start3A_144] : memref<256x512xf32, #tpu.memory_space<vmem_shared>> -> memref<2x512xf32, #tpu.memory_space<vmem_shared>>
    %dma_start3A_146 = arith.constant 88 : i32
    %dma_start3A_147 = arith.constant 0 : i32
    %dma_start3A_148 = tpu.memref_slice %arg2[%dma_start3A_146, %dma_start3A_147] : memref<16384x512xf32, #tpu.memory_space<hbm>> -> memref<2x512xf32, #tpu.memory_space<hbm>>
    tpu.enqueue_dma source(%dma_start3A_148 : memref<2x512xf32, #tpu.memory_space<hbm>>) target(%dma_start3A_145 : memref<2x512xf32, #tpu.memory_space<vmem_shared>>) target_semaphore(%arg8 : memref<!tpu.dma_semaphore, #tpu.memory_space<semaphore_mem>>)
    %dma_start3A_149 = arith.constant 174 : i32
    %dma_start3A_150 = arith.constant 0 : i32
    %dma_start3A_151 = tpu.memref_slice %arg4[%dma_start3A_149, %dma_start3A_150] : memref<256x512xf32, #tpu.memory_space<vmem_shared>> -> memref<2x512xf32, #tpu.memory_space<vmem_shared>>
    %dma_start3A_152 = arith.constant 92 : i32
    %dma_start3A_153 = arith.constant 0 : i32
    %dma_start3A_154 = tpu.memref_slice %arg2[%dma_start3A_152, %dma_start3A_153] : memref<16384x512xf32, #tpu.memory_space<hbm>> -> memref<2x512xf32, #tpu.memory_space<hbm>>
    tpu.enqueue_dma source(%dma_start3A_154 : memref<2x512xf32, #tpu.memory_space<hbm>>) target(%dma_start3A_151 : memref<2x512xf32, #tpu.memory_space<vmem_shared>>) target_semaphore(%arg8 : memref<!tpu.dma_semaphore, #tpu.memory_space<semaphore_mem>>)
    %dma_start3A_155 = arith.constant 176 : i32
    %dma_start3A_156 = arith.constant 0 : i32
    %dma_start3A_157 = tpu.memref_slice %arg4[%dma_start3A_155, %dma_start3A_156] : memref<256x512xf32, #tpu.memory_space<vmem_shared>> -> memref<2x512xf32, #tpu.memory_space<vmem_shared>>
    %dma_start3A_158 = arith.constant 96 : i32
    %dma_start3A_159 = arith.constant 0 : i32
    %dma_start3A_160 = tpu.memref_slice %arg2[%dma_start3A_158, %dma_start3A_159] : memref<16384x512xf32, #tpu.memory_space<hbm>> -> memref<2x512xf32, #tpu.memory_space<hbm>>
    tpu.enqueue_dma source(%dma_start3A_160 : memref<2x512xf32, #tpu.memory_space<hbm>>) target(%dma_start3A_157 : memref<2x512xf32, #tpu.memory_space<vmem_shared>>) target_semaphore(%arg8 : memref<!tpu.dma_semaphore, #tpu.memory_space<semaphore_mem>>)
    %dma_start3A_161 = arith.constant 178 : i32
    %dma_start3A_162 = arith.constant 0 : i32
    %dma_start3A_163 = tpu.memref_slice %arg4[%dma_start3A_161, %dma_start3A_162] : memref<256x512xf32, #tpu.memory_space<vmem_shared>> -> memref<2x512xf32, #tpu.memory_space<vmem_shared>>
    %dma_start3A_164 = arith.constant 100 : i32
    %dma_start3A_165 = arith.constant 0 : i32
    %dma_start3A_166 = tpu.memref_slice %arg2[%dma_start3A_164, %dma_start3A_165] : memref<16384x512xf32, #tpu.memory_space<hbm>> -> memref<2x512xf32, #tpu.memory_space<hbm>>
    tpu.enqueue_dma source(%dma_start3A_166 : memref<2x512xf32, #tpu.memory_space<hbm>>) target(%dma_start3A_163 : memref<2x512xf32, #tpu.memory_space<vmem_shared>>) target_semaphore(%arg8 : memref<!tpu.dma_semaphore, #tpu.memory_space<semaphore_mem>>)
    %dma_start3A_167 = arith.constant 180 : i32
    %dma_start3A_168 = arith.constant 0 : i32
    %dma_start3A_169 = tpu.memref_slice %arg4[%dma_start3A_167, %dma_start3A_168] : memref<256x512xf32, #tpu.memory_space<vmem_shared>> -> memref<2x512xf32, #tpu.memory_space<vmem_shared>>
    %dma_start3A_170 = arith.constant 104 : i32
    %dma_start3A_171 = arith.constant 0 : i32
    %dma_start3A_172 = tpu.memref_slice %arg2[%dma_start3A_170, %dma_start3A_171] : memref<16384x512xf32, #tpu.memory_space<hbm>> -> memref<2x512xf32, #tpu.memory_space<hbm>>
    tpu.enqueue_dma source(%dma_start3A_172 : memref<2x512xf32, #tpu.memory_space<hbm>>) target(%dma_start3A_169 : memref<2x512xf32, #tpu.memory_space<vmem_shared>>) target_semaphore(%arg8 : memref<!tpu.dma_semaphore, #tpu.memory_space<semaphore_mem>>)
    %dma_start3A_173 = arith.constant 182 : i32
    %dma_start3A_174 = arith.constant 0 : i32
    %dma_start3A_175 = tpu.memref_slice %arg4[%dma_start3A_173, %dma_start3A_174] : memref<256x512xf32, #tpu.memory_space<vmem_shared>> -> memref<2x512xf32, #tpu.memory_space<vmem_shared>>
    %dma_start3A_176 = arith.constant 108 : i32
    %dma_start3A_177 = arith.constant 0 : i32
    %dma_start3A_178 = tpu.memref_slice %arg2[%dma_start3A_176, %dma_start3A_177] : memref<16384x512xf32, #tpu.memory_space<hbm>> -> memref<2x512xf32, #tpu.memory_space<hbm>>
    tpu.enqueue_dma source(%dma_start3A_178 : memref<2x512xf32, #tpu.memory_space<hbm>>) target(%dma_start3A_175 : memref<2x512xf32, #tpu.memory_space<vmem_shared>>) target_semaphore(%arg8 : memref<!tpu.dma_semaphore, #tpu.memory_space<semaphore_mem>>)
    %dma_start3A_179 = arith.constant 184 : i32
    %dma_start3A_180 = arith.constant 0 : i32
    %dma_start3A_181 = tpu.memref_slice %arg4[%dma_start3A_179, %dma_start3A_180] : memref<256x512xf32, #tpu.memory_space<vmem_shared>> -> memref<2x512xf32, #tpu.memory_space<vmem_shared>>
    %dma_start3A_182 = arith.constant 112 : i32
    %dma_start3A_183 = arith.constant 0 : i32
    %dma_start3A_184 = tpu.memref_slice %arg2[%dma_start3A_182, %dma_start3A_183] : memref<16384x512xf32, #tpu.memory_space<hbm>> -> memref<2x512xf32, #tpu.memory_space<hbm>>
    tpu.enqueue_dma source(%dma_start3A_184 : memref<2x512xf32, #tpu.memory_space<hbm>>) target(%dma_start3A_181 : memref<2x512xf32, #tpu.memory_space<vmem_shared>>) target_semaphore(%arg8 : memref<!tpu.dma_semaphore, #tpu.memory_space<semaphore_mem>>)
    %dma_start3A_185 = arith.constant 186 : i32
    %dma_start3A_186 = arith.constant 0 : i32
    %dma_start3A_187 = tpu.memref_slice %arg4[%dma_start3A_185, %dma_start3A_186] : memref<256x512xf32, #tpu.memory_space<vmem_shared>> -> memref<2x512xf32, #tpu.memory_space<vmem_shared>>
    %dma_start3A_188 = arith.constant 116 : i32
    %dma_start3A_189 = arith.constant 0 : i32
    %dma_start3A_190 = tpu.memref_slice %arg2[%dma_start3A_188, %dma_start3A_189] : memref<16384x512xf32, #tpu.memory_space<hbm>> -> memref<2x512xf32, #tpu.memory_space<hbm>>
    tpu.enqueue_dma source(%dma_start3A_190 : memref<2x512xf32, #tpu.memory_space<hbm>>) target(%dma_start3A_187 : memref<2x512xf32, #tpu.memory_space<vmem_shared>>) target_semaphore(%arg8 : memref<!tpu.dma_semaphore, #tpu.memory_space<semaphore_mem>>)
    %dma_start3A_191 = arith.constant 188 : i32
    %dma_start3A_192 = arith.constant 0 : i32
    %dma_start3A_193 = tpu.memref_slice %arg4[%dma_start3A_191, %dma_start3A_192] : memref<256x512xf32, #tpu.memory_space<vmem_shared>> -> memref<2x512xf32, #tpu.memory_space<vmem_shared>>
    %dma_start3A_194 = arith.constant 120 : i32
    %dma_start3A_195 = arith.constant 0 : i32
    %dma_start3A_196 = tpu.memref_slice %arg2[%dma_start3A_194, %dma_start3A_195] : memref<16384x512xf32, #tpu.memory_space<hbm>> -> memref<2x512xf32, #tpu.memory_space<hbm>>
    tpu.enqueue_dma source(%dma_start3A_196 : memref<2x512xf32, #tpu.memory_space<hbm>>) target(%dma_start3A_193 : memref<2x512xf32, #tpu.memory_space<vmem_shared>>) target_semaphore(%arg8 : memref<!tpu.dma_semaphore, #tpu.memory_space<semaphore_mem>>)
    %dma_start3A_197 = arith.constant 190 : i32
    %dma_start3A_198 = arith.constant 0 : i32
    %dma_start3A_199 = tpu.memref_slice %arg4[%dma_start3A_197, %dma_start3A_198] : memref<256x512xf32, #tpu.memory_space<vmem_shared>> -> memref<2x512xf32, #tpu.memory_space<vmem_shared>>
    %dma_start3A_200 = arith.constant 124 : i32
    %dma_start3A_201 = arith.constant 0 : i32
    %dma_start3A_202 = tpu.memref_slice %arg2[%dma_start3A_200, %dma_start3A_201] : memref<16384x512xf32, #tpu.memory_space<hbm>> -> memref<2x512xf32, #tpu.memory_space<hbm>>
    tpu.enqueue_dma source(%dma_start3A_202 : memref<2x512xf32, #tpu.memory_space<hbm>>) target(%dma_start3A_199 : memref<2x512xf32, #tpu.memory_space<vmem_shared>>) target_semaphore(%arg8 : memref<!tpu.dma_semaphore, #tpu.memory_space<semaphore_mem>>)
    %dma_start3A_203 = arith.constant 192 : i32
    %dma_start3A_204 = arith.constant 0 : i32
    %dma_start3A_205 = tpu.memref_slice %arg4[%dma_start3A_203, %dma_start3A_204] : memref<256x512xf32, #tpu.memory_space<vmem_shared>> -> memref<2x512xf32, #tpu.memory_space<vmem_shared>>
    %dma_start3A_206 = arith.constant 128 : i32
    %dma_start3A_207 = arith.constant 0 : i32
    %dma_start3A_208 = tpu.memref_slice %arg2[%dma_start3A_206, %dma_start3A_207] : memref<16384x512xf32, #tpu.memory_space<hbm>> -> memref<2x512xf32, #tpu.memory_space<hbm>>
    tpu.enqueue_dma source(%dma_start3A_208 : memref<2x512xf32, #tpu.memory_space<hbm>>) target(%dma_start3A_205 : memref<2x512xf32, #tpu.memory_space<vmem_shared>>) target_semaphore(%arg9 : memref<!tpu.dma_semaphore, #tpu.memory_space<semaphore_mem>>)
    %dma_start3A_209 = arith.constant 194 : i32
    %dma_start3A_210 = arith.constant 0 : i32
    %dma_start3A_211 = tpu.memref_slice %arg4[%dma_start3A_209, %dma_start3A_210] : memref<256x512xf32, #tpu.memory_space<vmem_shared>> -> memref<2x512xf32, #tpu.memory_space<vmem_shared>>
    %dma_start3A_212 = arith.constant 132 : i32
    %dma_start3A_213 = arith.constant 0 : i32
    %dma_start3A_214 = tpu.memref_slice %arg2[%dma_start3A_212, %dma_start3A_213] : memref<16384x512xf32, #tpu.memory_space<hbm>> -> memref<2x512xf32, #tpu.memory_space<hbm>>
    tpu.enqueue_dma source(%dma_start3A_214 : memref<2x512xf32, #tpu.memory_space<hbm>>) target(%dma_start3A_211 : memref<2x512xf32, #tpu.memory_space<vmem_shared>>) target_semaphore(%arg9 : memref<!tpu.dma_semaphore, #tpu.memory_space<semaphore_mem>>)
    %dma_start3A_215 = arith.constant 196 : i32
    %dma_start3A_216 = arith.constant 0 : i32
    %dma_start3A_217 = tpu.memref_slice %arg4[%dma_start3A_215, %dma_start3A_216] : memref<256x512xf32, #tpu.memory_space<vmem_shared>> -> memref<2x512xf32, #tpu.memory_space<vmem_shared>>
    %dma_start3A_218 = arith.constant 136 : i32
    %dma_start3A_219 = arith.constant 0 : i32
    %dma_start3A_220 = tpu.memref_slice %arg2[%dma_start3A_218, %dma_start3A_219] : memref<16384x512xf32, #tpu.memory_space<hbm>> -> memref<2x512xf32, #tpu.memory_space<hbm>>
    tpu.enqueue_dma source(%dma_start3A_220 : memref<2x512xf32, #tpu.memory_space<hbm>>) target(%dma_start3A_217 : memref<2x512xf32, #tpu.memory_space<vmem_shared>>) target_semaphore(%arg9 : memref<!tpu.dma_semaphore, #tpu.memory_space<semaphore_mem>>)
    %dma_start3A_221 = arith.constant 198 : i32
    %dma_start3A_222 = arith.constant 0 : i32
    %dma_start3A_223 = tpu.memref_slice %arg4[%dma_start3A_221, %dma_start3A_222] : memref<256x512xf32, #tpu.memory_space<vmem_shared>> -> memref<2x512xf32, #tpu.memory_space<vmem_shared>>
    %dma_start3A_224 = arith.constant 140 : i32
    %dma_start3A_225 = arith.constant 0 : i32
    %dma_start3A_226 = tpu.memref_slice %arg2[%dma_start3A_224, %dma_start3A_225] : memref<16384x512xf32, #tpu.memory_space<hbm>> -> memref<2x512xf32, #tpu.memory_space<hbm>>
    tpu.enqueue_dma source(%dma_start3A_226 : memref<2x512xf32, #tpu.memory_space<hbm>>) target(%dma_start3A_223 : memref<2x512xf32, #tpu.memory_space<vmem_shared>>) target_semaphore(%arg9 : memref<!tpu.dma_semaphore, #tpu.memory_space<semaphore_mem>>)
    %dma_start3A_227 = arith.constant 200 : i32
    %dma_start3A_228 = arith.constant 0 : i32
    %dma_start3A_229 = tpu.memref_slice %arg4[%dma_start3A_227, %dma_start3A_228] : memref<256x512xf32, #tpu.memory_space<vmem_shared>> -> memref<2x512xf32, #tpu.memory_space<vmem_shared>>
    %dma_start3A_230 = arith.constant 144 : i32
    %dma_start3A_231 = arith.constant 0 : i32
    %dma_start3A_232 = tpu.memref_slice %arg2[%dma_start3A_230, %dma_start3A_231] : memref<16384x512xf32, #tpu.memory_space<hbm>> -> memref<2x512xf32, #tpu.memory_space<hbm>>
    tpu.enqueue_dma source(%dma_start3A_232 : memref<2x512xf32, #tpu.memory_space<hbm>>) target(%dma_start3A_229 : memref<2x512xf32, #tpu.memory_space<vmem_shared>>) target_semaphore(%arg9 : memref<!tpu.dma_semaphore, #tpu.memory_space<semaphore_mem>>)
    %dma_start3A_233 = arith.constant 202 : i32
    %dma_start3A_234 = arith.constant 0 : i32
    %dma_start3A_235 = tpu.memref_slice %arg4[%dma_start3A_233, %dma_start3A_234] : memref<256x512xf32, #tpu.memory_space<vmem_shared>> -> memref<2x512xf32, #tpu.memory_space<vmem_shared>>
    %dma_start3A_236 = arith.constant 148 : i32
    %dma_start3A_237 = arith.constant 0 : i32
    %dma_start3A_238 = tpu.memref_slice %arg2[%dma_start3A_236, %dma_start3A_237] : memref<16384x512xf32, #tpu.memory_space<hbm>> -> memref<2x512xf32, #tpu.memory_space<hbm>>
    tpu.enqueue_dma source(%dma_start3A_238 : memref<2x512xf32, #tpu.memory_space<hbm>>) target(%dma_start3A_235 : memref<2x512xf32, #tpu.memory_space<vmem_shared>>) target_semaphore(%arg9 : memref<!tpu.dma_semaphore, #tpu.memory_space<semaphore_mem>>)
    %dma_start3A_239 = arith.constant 204 : i32
    %dma_start3A_240 = arith.constant 0 : i32
    %dma_start3A_241 = tpu.memref_slice %arg4[%dma_start3A_239, %dma_start3A_240] : memref<256x512xf32, #tpu.memory_space<vmem_shared>> -> memref<2x512xf32, #tpu.memory_space<vmem_shared>>
    %dma_start3A_242 = arith.constant 152 : i32
    %dma_start3A_243 = arith.constant 0 : i32
    %dma_start3A_244 = tpu.memref_slice %arg2[%dma_start3A_242, %dma_start3A_243] : memref<16384x512xf32, #tpu.memory_space<hbm>> -> memref<2x512xf32, #tpu.memory_space<hbm>>
    tpu.enqueue_dma source(%dma_start3A_244 : memref<2x512xf32, #tpu.memory_space<hbm>>) target(%dma_start3A_241 : memref<2x512xf32, #tpu.memory_space<vmem_shared>>) target_semaphore(%arg9 : memref<!tpu.dma_semaphore, #tpu.memory_space<semaphore_mem>>)
    %dma_start3A_245 = arith.constant 206 : i32
    %dma_start3A_246 = arith.constant 0 : i32
    %dma_start3A_247 = tpu.memref_slice %arg4[%dma_start3A_245, %dma_start3A_246] : memref<256x512xf32, #tpu.memory_space<vmem_shared>> -> memref<2x512xf32, #tpu.memory_space<vmem_shared>>
    %dma_start3A_248 = arith.constant 156 : i32
    %dma_start3A_249 = arith.constant 0 : i32
    %dma_start3A_250 = tpu.memref_slice %arg2[%dma_start3A_248, %dma_start3A_249] : memref<16384x512xf32, #tpu.memory_space<hbm>> -> memref<2x512xf32, #tpu.memory_space<hbm>>
    tpu.enqueue_dma source(%dma_start3A_250 : memref<2x512xf32, #tpu.memory_space<hbm>>) target(%dma_start3A_247 : memref<2x512xf32, #tpu.memory_space<vmem_shared>>) target_semaphore(%arg9 : memref<!tpu.dma_semaphore, #tpu.memory_space<semaphore_mem>>)
    %dma_start3A_251 = arith.constant 208 : i32
    %dma_start3A_252 = arith.constant 0 : i32
    %dma_start3A_253 = tpu.memref_slice %arg4[%dma_start3A_251, %dma_start3A_252] : memref<256x512xf32, #tpu.memory_space<vmem_shared>> -> memref<2x512xf32, #tpu.memory_space<vmem_shared>>
    %dma_start3A_254 = arith.constant 160 : i32
    %dma_start3A_255 = arith.constant 0 : i32
    %dma_start3A_256 = tpu.memref_slice %arg2[%dma_start3A_254, %dma_start3A_255] : memref<16384x512xf32, #tpu.memory_space<hbm>> -> memref<2x512xf32, #tpu.memory_space<hbm>>
    tpu.enqueue_dma source(%dma_start3A_256 : memref<2x512xf32, #tpu.memory_space<hbm>>) target(%dma_start3A_253 : memref<2x512xf32, #tpu.memory_space<vmem_shared>>) target_semaphore(%arg9 : memref<!tpu.dma_semaphore, #tpu.memory_space<semaphore_mem>>)
    %dma_start3A_257 = arith.constant 210 : i32
    %dma_start3A_258 = arith.constant 0 : i32
    %dma_start3A_259 = tpu.memref_slice %arg4[%dma_start3A_257, %dma_start3A_258] : memref<256x512xf32, #tpu.memory_space<vmem_shared>> -> memref<2x512xf32, #tpu.memory_space<vmem_shared>>
    %dma_start3A_260 = arith.constant 164 : i32
    %dma_start3A_261 = arith.constant 0 : i32
    %dma_start3A_262 = tpu.memref_slice %arg2[%dma_start3A_260, %dma_start3A_261] : memref<16384x512xf32, #tpu.memory_space<hbm>> -> memref<2x512xf32, #tpu.memory_space<hbm>>
    tpu.enqueue_dma source(%dma_start3A_262 : memref<2x512xf32, #tpu.memory_space<hbm>>) target(%dma_start3A_259 : memref<2x512xf32, #tpu.memory_space<vmem_shared>>) target_semaphore(%arg9 : memref<!tpu.dma_semaphore, #tpu.memory_space<semaphore_mem>>)
    %dma_start3A_263 = arith.constant 212 : i32
    %dma_start3A_264 = arith.constant 0 : i32
    %dma_start3A_265 = tpu.memref_slice %arg4[%dma_start3A_263, %dma_start3A_264] : memref<256x512xf32, #tpu.memory_space<vmem_shared>> -> memref<2x512xf32, #tpu.memory_space<vmem_shared>>
    %dma_start3A_266 = arith.constant 168 : i32
    %dma_start3A_267 = arith.constant 0 : i32
    %dma_start3A_268 = tpu.memref_slice %arg2[%dma_start3A_266, %dma_start3A_267] : memref<16384x512xf32, #tpu.memory_space<hbm>> -> memref<2x512xf32, #tpu.memory_space<hbm>>
    tpu.enqueue_dma source(%dma_start3A_268 : memref<2x512xf32, #tpu.memory_space<hbm>>) target(%dma_start3A_265 : memref<2x512xf32, #tpu.memory_space<vmem_shared>>) target_semaphore(%arg9 : memref<!tpu.dma_semaphore, #tpu.memory_space<semaphore_mem>>)
    %dma_start3A_269 = arith.constant 214 : i32
    %dma_start3A_270 = arith.constant 0 : i32
    %dma_start3A_271 = tpu.memref_slice %arg4[%dma_start3A_269, %dma_start3A_270] : memref<256x512xf32, #tpu.memory_space<vmem_shared>> -> memref<2x512xf32, #tpu.memory_space<vmem_shared>>
    %dma_start3A_272 = arith.constant 172 : i32
    %dma_start3A_273 = arith.constant 0 : i32
    %dma_start3A_274 = tpu.memref_slice %arg2[%dma_start3A_272, %dma_start3A_273] : memref<16384x512xf32, #tpu.memory_space<hbm>> -> memref<2x512xf32, #tpu.memory_space<hbm>>
    tpu.enqueue_dma source(%dma_start3A_274 : memref<2x512xf32, #tpu.memory_space<hbm>>) target(%dma_start3A_271 : memref<2x512xf32, #tpu.memory_space<vmem_shared>>) target_semaphore(%arg9 : memref<!tpu.dma_semaphore, #tpu.memory_space<semaphore_mem>>)
    %dma_start3A_275 = arith.constant 216 : i32
    %dma_start3A_276 = arith.constant 0 : i32
    %dma_start3A_277 = tpu.memref_slice %arg4[%dma_start3A_275, %dma_start3A_276] : memref<256x512xf32, #tpu.memory_space<vmem_shared>> -> memref<2x512xf32, #tpu.memory_space<vmem_shared>>
    %dma_start3A_278 = arith.constant 176 : i32
    %dma_start3A_279 = arith.constant 0 : i32
    %dma_start3A_280 = tpu.memref_slice %arg2[%dma_start3A_278, %dma_start3A_279] : memref<16384x512xf32, #tpu.memory_space<hbm>> -> memref<2x512xf32, #tpu.memory_space<hbm>>
    tpu.enqueue_dma source(%dma_start3A_280 : memref<2x512xf32, #tpu.memory_space<hbm>>) target(%dma_start3A_277 : memref<2x512xf32, #tpu.memory_space<vmem_shared>>) target_semaphore(%arg9 : memref<!tpu.dma_semaphore, #tpu.memory_space<semaphore_mem>>)
    %dma_start3A_281 = arith.constant 218 : i32
    %dma_start3A_282 = arith.constant 0 : i32
    %dma_start3A_283 = tpu.memref_slice %arg4[%dma_start3A_281, %dma_start3A_282] : memref<256x512xf32, #tpu.memory_space<vmem_shared>> -> memref<2x512xf32, #tpu.memory_space<vmem_shared>>
    %dma_start3A_284 = arith.constant 180 : i32
    %dma_start3A_285 = arith.constant 0 : i32
    %dma_start3A_286 = tpu.memref_slice %arg2[%dma_start3A_284, %dma_start3A_285] : memref<16384x512xf32, #tpu.memory_space<hbm>> -> memref<2x512xf32, #tpu.memory_space<hbm>>
    tpu.enqueue_dma source(%dma_start3A_286 : memref<2x512xf32, #tpu.memory_space<hbm>>) target(%dma_start3A_283 : memref<2x512xf32, #tpu.memory_space<vmem_shared>>) target_semaphore(%arg9 : memref<!tpu.dma_semaphore, #tpu.memory_space<semaphore_mem>>)
    %dma_start3A_287 = arith.constant 220 : i32
    %dma_start3A_288 = arith.constant 0 : i32
    %dma_start3A_289 = tpu.memref_slice %arg4[%dma_start3A_287, %dma_start3A_288] : memref<256x512xf32, #tpu.memory_space<vmem_shared>> -> memref<2x512xf32, #tpu.memory_space<vmem_shared>>
    %dma_start3A_290 = arith.constant 184 : i32
    %dma_start3A_291 = arith.constant 0 : i32
    %dma_start3A_292 = tpu.memref_slice %arg2[%dma_start3A_290, %dma_start3A_291] : memref<16384x512xf32, #tpu.memory_space<hbm>> -> memref<2x512xf32, #tpu.memory_space<hbm>>
    tpu.enqueue_dma source(%dma_start3A_292 : memref<2x512xf32, #tpu.memory_space<hbm>>) target(%dma_start3A_289 : memref<2x512xf32, #tpu.memory_space<vmem_shared>>) target_semaphore(%arg9 : memref<!tpu.dma_semaphore, #tpu.memory_space<semaphore_mem>>)
    %dma_start3A_293 = arith.constant 222 : i32
    %dma_start3A_294 = arith.constant 0 : i32
    %dma_start3A_295 = tpu.memref_slice %arg4[%dma_start3A_293, %dma_start3A_294] : memref<256x512xf32, #tpu.memory_space<vmem_shared>> -> memref<2x512xf32, #tpu.memory_space<vmem_shared>>
    %dma_start3A_296 = arith.constant 188 : i32
    %dma_start3A_297 = arith.constant 0 : i32
    %dma_start3A_298 = tpu.memref_slice %arg2[%dma_start3A_296, %dma_start3A_297] : memref<16384x512xf32, #tpu.memory_space<hbm>> -> memref<2x512xf32, #tpu.memory_space<hbm>>
    tpu.enqueue_dma source(%dma_start3A_298 : memref<2x512xf32, #tpu.memory_space<hbm>>) target(%dma_start3A_295 : memref<2x512xf32, #tpu.memory_space<vmem_shared>>) target_semaphore(%arg9 : memref<!tpu.dma_semaphore, #tpu.memory_space<semaphore_mem>>)
    %dma_start3A_299 = arith.constant 224 : i32
    %dma_start3A_300 = arith.constant 0 : i32
    %dma_start3A_301 = tpu.memref_slice %arg4[%dma_start3A_299, %dma_start3A_300] : memref<256x512xf32, #tpu.memory_space<vmem_shared>> -> memref<2x512xf32, #tpu.memory_space<vmem_shared>>
    %dma_start3A_302 = arith.constant 192 : i32
    %dma_start3A_303 = arith.constant 0 : i32
    %dma_start3A_304 = tpu.memref_slice %arg2[%dma_start3A_302, %dma_start3A_303] : memref<16384x512xf32, #tpu.memory_space<hbm>> -> memref<2x512xf32, #tpu.memory_space<hbm>>
    tpu.enqueue_dma source(%dma_start3A_304 : memref<2x512xf32, #tpu.memory_space<hbm>>) target(%dma_start3A_301 : memref<2x512xf32, #tpu.memory_space<vmem_shared>>) target_semaphore(%arg10 : memref<!tpu.dma_semaphore, #tpu.memory_space<semaphore_mem>>)
    %dma_start3A_305 = arith.constant 226 : i32
    %dma_start3A_306 = arith.constant 0 : i32
    %dma_start3A_307 = tpu.memref_slice %arg4[%dma_start3A_305, %dma_start3A_306] : memref<256x512xf32, #tpu.memory_space<vmem_shared>> -> memref<2x512xf32, #tpu.memory_space<vmem_shared>>
    %dma_start3A_308 = arith.constant 196 : i32
    %dma_start3A_309 = arith.constant 0 : i32
    %dma_start3A_310 = tpu.memref_slice %arg2[%dma_start3A_308, %dma_start3A_309] : memref<16384x512xf32, #tpu.memory_space<hbm>> -> memref<2x512xf32, #tpu.memory_space<hbm>>
    tpu.enqueue_dma source(%dma_start3A_310 : memref<2x512xf32, #tpu.memory_space<hbm>>) target(%dma_start3A_307 : memref<2x512xf32, #tpu.memory_space<vmem_shared>>) target_semaphore(%arg10 : memref<!tpu.dma_semaphore, #tpu.memory_space<semaphore_mem>>)
    %dma_start3A_311 = arith.constant 228 : i32
    %dma_start3A_312 = arith.constant 0 : i32
    %dma_start3A_313 = tpu.memref_slice %arg4[%dma_start3A_311, %dma_start3A_312] : memref<256x512xf32, #tpu.memory_space<vmem_shared>> -> memref<2x512xf32, #tpu.memory_space<vmem_shared>>
    %dma_start3A_314 = arith.constant 200 : i32
    %dma_start3A_315 = arith.constant 0 : i32
    %dma_start3A_316 = tpu.memref_slice %arg2[%dma_start3A_314, %dma_start3A_315] : memref<16384x512xf32, #tpu.memory_space<hbm>> -> memref<2x512xf32, #tpu.memory_space<hbm>>
    tpu.enqueue_dma source(%dma_start3A_316 : memref<2x512xf32, #tpu.memory_space<hbm>>) target(%dma_start3A_313 : memref<2x512xf32, #tpu.memory_space<vmem_shared>>) target_semaphore(%arg10 : memref<!tpu.dma_semaphore, #tpu.memory_space<semaphore_mem>>)
    %dma_start3A_317 = arith.constant 230 : i32
    %dma_start3A_318 = arith.constant 0 : i32
    %dma_start3A_319 = tpu.memref_slice %arg4[%dma_start3A_317, %dma_start3A_318] : memref<256x512xf32, #tpu.memory_space<vmem_shared>> -> memref<2x512xf32, #tpu.memory_space<vmem_shared>>
    %dma_start3A_320 = arith.constant 204 : i32
    %dma_start3A_321 = arith.constant 0 : i32
    %dma_start3A_322 = tpu.memref_slice %arg2[%dma_start3A_320, %dma_start3A_321] : memref<16384x512xf32, #tpu.memory_space<hbm>> -> memref<2x512xf32, #tpu.memory_space<hbm>>
    tpu.enqueue_dma source(%dma_start3A_322 : memref<2x512xf32, #tpu.memory_space<hbm>>) target(%dma_start3A_319 : memref<2x512xf32, #tpu.memory_space<vmem_shared>>) target_semaphore(%arg10 : memref<!tpu.dma_semaphore, #tpu.memory_space<semaphore_mem>>)
    %dma_start3A_323 = arith.constant 232 : i32
    %dma_start3A_324 = arith.constant 0 : i32
    %dma_start3A_325 = tpu.memref_slice %arg4[%dma_start3A_323, %dma_start3A_324] : memref<256x512xf32, #tpu.memory_space<vmem_shared>> -> memref<2x512xf32, #tpu.memory_space<vmem_shared>>
    %dma_start3A_326 = arith.constant 208 : i32
    %dma_start3A_327 = arith.constant 0 : i32
    %dma_start3A_328 = tpu.memref_slice %arg2[%dma_start3A_326, %dma_start3A_327] : memref<16384x512xf32, #tpu.memory_space<hbm>> -> memref<2x512xf32, #tpu.memory_space<hbm>>
    tpu.enqueue_dma source(%dma_start3A_328 : memref<2x512xf32, #tpu.memory_space<hbm>>) target(%dma_start3A_325 : memref<2x512xf32, #tpu.memory_space<vmem_shared>>) target_semaphore(%arg10 : memref<!tpu.dma_semaphore, #tpu.memory_space<semaphore_mem>>)
    %dma_start3A_329 = arith.constant 234 : i32
    %dma_start3A_330 = arith.constant 0 : i32
    %dma_start3A_331 = tpu.memref_slice %arg4[%dma_start3A_329, %dma_start3A_330] : memref<256x512xf32, #tpu.memory_space<vmem_shared>> -> memref<2x512xf32, #tpu.memory_space<vmem_shared>>
    %dma_start3A_332 = arith.constant 212 : i32
    %dma_start3A_333 = arith.constant 0 : i32
    %dma_start3A_334 = tpu.memref_slice %arg2[%dma_start3A_332, %dma_start3A_333] : memref<16384x512xf32, #tpu.memory_space<hbm>> -> memref<2x512xf32, #tpu.memory_space<hbm>>
    tpu.enqueue_dma source(%dma_start3A_334 : memref<2x512xf32, #tpu.memory_space<hbm>>) target(%dma_start3A_331 : memref<2x512xf32, #tpu.memory_space<vmem_shared>>) target_semaphore(%arg10 : memref<!tpu.dma_semaphore, #tpu.memory_space<semaphore_mem>>)
    %dma_start3A_335 = arith.constant 236 : i32
    %dma_start3A_336 = arith.constant 0 : i32
    %dma_start3A_337 = tpu.memref_slice %arg4[%dma_start3A_335, %dma_start3A_336] : memref<256x512xf32, #tpu.memory_space<vmem_shared>> -> memref<2x512xf32, #tpu.memory_space<vmem_shared>>
    %dma_start3A_338 = arith.constant 216 : i32
    %dma_start3A_339 = arith.constant 0 : i32
    %dma_start3A_340 = tpu.memref_slice %arg2[%dma_start3A_338, %dma_start3A_339] : memref<16384x512xf32, #tpu.memory_space<hbm>> -> memref<2x512xf32, #tpu.memory_space<hbm>>
    tpu.enqueue_dma source(%dma_start3A_340 : memref<2x512xf32, #tpu.memory_space<hbm>>) target(%dma_start3A_337 : memref<2x512xf32, #tpu.memory_space<vmem_shared>>) target_semaphore(%arg10 : memref<!tpu.dma_semaphore, #tpu.memory_space<semaphore_mem>>)
    %dma_start3A_341 = arith.constant 238 : i32
    %dma_start3A_342 = arith.constant 0 : i32
    %dma_start3A_343 = tpu.memref_slice %arg4[%dma_start3A_341, %dma_start3A_342] : memref<256x512xf32, #tpu.memory_space<vmem_shared>> -> memref<2x512xf32, #tpu.memory_space<vmem_shared>>
    %dma_start3A_344 = arith.constant 220 : i32
    %dma_start3A_345 = arith.constant 0 : i32
    %dma_start3A_346 = tpu.memref_slice %arg2[%dma_start3A_344, %dma_start3A_345] : memref<16384x512xf32, #tpu.memory_space<hbm>> -> memref<2x512xf32, #tpu.memory_space<hbm>>
    tpu.enqueue_dma source(%dma_start3A_346 : memref<2x512xf32, #tpu.memory_space<hbm>>) target(%dma_start3A_343 : memref<2x512xf32, #tpu.memory_space<vmem_shared>>) target_semaphore(%arg10 : memref<!tpu.dma_semaphore, #tpu.memory_space<semaphore_mem>>)
    %dma_start3A_347 = arith.constant 240 : i32
    %dma_start3A_348 = arith.constant 0 : i32
    %dma_start3A_349 = tpu.memref_slice %arg4[%dma_start3A_347, %dma_start3A_348] : memref<256x512xf32, #tpu.memory_space<vmem_shared>> -> memref<2x512xf32, #tpu.memory_space<vmem_shared>>
    %dma_start3A_350 = arith.constant 224 : i32
    %dma_start3A_351 = arith.constant 0 : i32
    %dma_start3A_352 = tpu.memref_slice %arg2[%dma_start3A_350, %dma_start3A_351] : memref<16384x512xf32, #tpu.memory_space<hbm>> -> memref<2x512xf32, #tpu.memory_space<hbm>>
    tpu.enqueue_dma source(%dma_start3A_352 : memref<2x512xf32, #tpu.memory_space<hbm>>) target(%dma_start3A_349 : memref<2x512xf32, #tpu.memory_space<vmem_shared>>) target_semaphore(%arg10 : memref<!tpu.dma_semaphore, #tpu.memory_space<semaphore_mem>>)
    %dma_start3A_353 = arith.constant 242 : i32
    %dma_start3A_354 = arith.constant 0 : i32
    %dma_start3A_355 = tpu.memref_slice %arg4[%dma_start3A_353, %dma_start3A_354] : memref<256x512xf32, #tpu.memory_space<vmem_shared>> -> memref<2x512xf32, #tpu.memory_space<vmem_shared>>
    %dma_start3A_356 = arith.constant 228 : i32
    %dma_start3A_357 = arith.constant 0 : i32
    %dma_start3A_358 = tpu.memref_slice %arg2[%dma_start3A_356, %dma_start3A_357] : memref<16384x512xf32, #tpu.memory_space<hbm>> -> memref<2x512xf32, #tpu.memory_space<hbm>>
    tpu.enqueue_dma source(%dma_start3A_358 : memref<2x512xf32, #tpu.memory_space<hbm>>) target(%dma_start3A_355 : memref<2x512xf32, #tpu.memory_space<vmem_shared>>) target_semaphore(%arg10 : memref<!tpu.dma_semaphore, #tpu.memory_space<semaphore_mem>>)
    %dma_start3A_359 = arith.constant 244 : i32
    %dma_start3A_360 = arith.constant 0 : i32
    %dma_start3A_361 = tpu.memref_slice %arg4[%dma_start3A_359, %dma_start3A_360] : memref<256x512xf32, #tpu.memory_space<vmem_shared>> -> memref<2x512xf32, #tpu.memory_space<vmem_shared>>
    %dma_start3A_362 = arith.constant 232 : i32
    %dma_start3A_363 = arith.constant 0 : i32
    %dma_start3A_364 = tpu.memref_slice %arg2[%dma_start3A_362, %dma_start3A_363] : memref<16384x512xf32, #tpu.memory_space<hbm>> -> memref<2x512xf32, #tpu.memory_space<hbm>>
    tpu.enqueue_dma source(%dma_start3A_364 : memref<2x512xf32, #tpu.memory_space<hbm>>) target(%dma_start3A_361 : memref<2x512xf32, #tpu.memory_space<vmem_shared>>) target_semaphore(%arg10 : memref<!tpu.dma_semaphore, #tpu.memory_space<semaphore_mem>>)
    %dma_start3A_365 = arith.constant 246 : i32
    %dma_start3A_366 = arith.constant 0 : i32
    %dma_start3A_367 = tpu.memref_slice %arg4[%dma_start3A_365, %dma_start3A_366] : memref<256x512xf32, #tpu.memory_space<vmem_shared>> -> memref<2x512xf32, #tpu.memory_space<vmem_shared>>
    %dma_start3A_368 = arith.constant 236 : i32
    %dma_start3A_369 = arith.constant 0 : i32
    %dma_start3A_370 = tpu.memref_slice %arg2[%dma_start3A_368, %dma_start3A_369] : memref<16384x512xf32, #tpu.memory_space<hbm>> -> memref<2x512xf32, #tpu.memory_space<hbm>>
    tpu.enqueue_dma source(%dma_start3A_370 : memref<2x512xf32, #tpu.memory_space<hbm>>) target(%dma_start3A_367 : memref<2x512xf32, #tpu.memory_space<vmem_shared>>) target_semaphore(%arg10 : memref<!tpu.dma_semaphore, #tpu.memory_space<semaphore_mem>>)
    %dma_start3A_371 = arith.constant 248 : i32
    %dma_start3A_372 = arith.constant 0 : i32
    %dma_start3A_373 = tpu.memref_slice %arg4[%dma_start3A_371, %dma_start3A_372] : memref<256x512xf32, #tpu.memory_space<vmem_shared>> -> memref<2x512xf32, #tpu.memory_space<vmem_shared>>
    %dma_start3A_374 = arith.constant 240 : i32
    %dma_start3A_375 = arith.constant 0 : i32
    %dma_start3A_376 = tpu.memref_slice %arg2[%dma_start3A_374, %dma_start3A_375] : memref<16384x512xf32, #tpu.memory_space<hbm>> -> memref<2x512xf32, #tpu.memory_space<hbm>>
    tpu.enqueue_dma source(%dma_start3A_376 : memref<2x512xf32, #tpu.memory_space<hbm>>) target(%dma_start3A_373 : memref<2x512xf32, #tpu.memory_space<vmem_shared>>) target_semaphore(%arg10 : memref<!tpu.dma_semaphore, #tpu.memory_space<semaphore_mem>>)
    %dma_start3A_377 = arith.constant 250 : i32
    %dma_start3A_378 = arith.constant 0 : i32
    %dma_start3A_379 = tpu.memref_slice %arg4[%dma_start3A_377, %dma_start3A_378] : memref<256x512xf32, #tpu.memory_space<vmem_shared>> -> memref<2x512xf32, #tpu.memory_space<vmem_shared>>
    %dma_start3A_380 = arith.constant 244 : i32
    %dma_start3A_381 = arith.constant 0 : i32
    %dma_start3A_382 = tpu.memref_slice %arg2[%dma_start3A_380, %dma_start3A_381] : memref<16384x512xf32, #tpu.memory_space<hbm>> -> memref<2x512xf32, #tpu.memory_space<hbm>>
    tpu.enqueue_dma source(%dma_start3A_382 : memref<2x512xf32, #tpu.memory_space<hbm>>) target(%dma_start3A_379 : memref<2x512xf32, #tpu.memory_space<vmem_shared>>) target_semaphore(%arg10 : memref<!tpu.dma_semaphore, #tpu.memory_space<semaphore_mem>>)
    %dma_start3A_383 = arith.constant 252 : i32
    %dma_start3A_384 = arith.constant 0 : i32
    %dma_start3A_385 = tpu.memref_slice %arg4[%dma_start3A_383, %dma_start3A_384] : memref<256x512xf32, #tpu.memory_space<vmem_shared>> -> memref<2x512xf32, #tpu.memory_space<vmem_shared>>
    %dma_start3A_386 = arith.constant 248 : i32
    %dma_start3A_387 = arith.constant 0 : i32
    %dma_start3A_388 = tpu.memref_slice %arg2[%dma_start3A_386, %dma_start3A_387] : memref<16384x512xf32, #tpu.memory_space<hbm>> -> memref<2x512xf32, #tpu.memory_space<hbm>>
    tpu.enqueue_dma source(%dma_start3A_388 : memref<2x512xf32, #tpu.memory_space<hbm>>) target(%dma_start3A_385 : memref<2x512xf32, #tpu.memory_space<vmem_shared>>) target_semaphore(%arg10 : memref<!tpu.dma_semaphore, #tpu.memory_space<semaphore_mem>>)
    %dma_start3A_389 = arith.constant 254 : i32
    %dma_start3A_390 = arith.constant 0 : i32
    %dma_start3A_391 = tpu.memref_slice %arg4[%dma_start3A_389, %dma_start3A_390] : memref<256x512xf32, #tpu.memory_space<vmem_shared>> -> memref<2x512xf32, #tpu.memory_space<vmem_shared>>
    %dma_start3A_392 = arith.constant 252 : i32
    %dma_start3A_393 = arith.constant 0 : i32
    %dma_start3A_394 = tpu.memref_slice %arg2[%dma_start3A_392, %dma_start3A_393] : memref<16384x512xf32, #tpu.memory_space<hbm>> -> memref<2x512xf32, #tpu.memory_space<hbm>>
    tpu.enqueue_dma source(%dma_start3A_394 : memref<2x512xf32, #tpu.memory_space<hbm>>) target(%dma_start3A_391 : memref<2x512xf32, #tpu.memory_space<vmem_shared>>) target_semaphore(%arg10 : memref<!tpu.dma_semaphore, #tpu.memory_space<semaphore_mem>>)
    %dma_wait3A = arith.constant 0 : i32
    %dma_wait3A_395 = arith.constant 0 : i32
    %dma_wait3A_396 = tpu.memref_slice %arg4[%dma_wait3A, %dma_wait3A_395] : memref<256x512xf32, #tpu.memory_space<vmem_shared>> -> memref<64x512xf32, #tpu.memory_space<vmem_shared>>
    %dma_wait3A_397 = arith.constant 0 : i32
    %dma_wait3A_398 = arith.constant 0 : i32
    %dma_wait3A_399 = tpu.memref_slice %arg1[%dma_wait3A_397, %dma_wait3A_398] : memref<16384x512xf32, #tpu.memory_space<hbm>> -> memref<64x512xf32, #tpu.memory_space<hbm>>
    tpu.wait_dma2 semaphore(%arg5 : memref<!tpu.dma_semaphore, #tpu.memory_space<semaphore_mem>>) src(%dma_wait3A_399 : memref<64x512xf32, #tpu.memory_space<hbm>>) dst(%dma_wait3A_396 : memref<64x512xf32, #tpu.memory_space<vmem_shared>>)
    %dma_start3A_400 = arith.constant 0 : i32
    %dma_start3A_401 = arith.constant 0 : i32
    %dma_start3A_402 = tpu.memref_slice %arg3[%dma_start3A_400, %dma_start3A_401] : memref<256x512xf32, #tpu.memory_space<hbm>> -> memref<64x512xf32, #tpu.memory_space<hbm>>
    %dma_start3A_403 = arith.constant 0 : i32
    %dma_start3A_404 = arith.constant 0 : i32
    %dma_start3A_405 = tpu.memref_slice %arg4[%dma_start3A_403, %dma_start3A_404] : memref<256x512xf32, #tpu.memory_space<vmem_shared>> -> memref<64x512xf32, #tpu.memory_space<vmem_shared>>
    tpu.enqueue_dma source(%dma_start3A_405 : memref<64x512xf32, #tpu.memory_space<vmem_shared>>) target(%dma_start3A_402 : memref<64x512xf32, #tpu.memory_space<hbm>>) target_semaphore(%arg11 : memref<!tpu.dma_semaphore, #tpu.memory_space<semaphore_mem>>)
    %dma_wait3A_406 = arith.constant 64 : i32
    %dma_wait3A_407 = arith.constant 0 : i32
    %dma_wait3A_408 = tpu.memref_slice %arg4[%dma_wait3A_406, %dma_wait3A_407] : memref<256x512xf32, #tpu.memory_space<vmem_shared>> -> memref<64x512xf32, #tpu.memory_space<vmem_shared>>
    %dma_wait3A_409 = arith.constant 64 : i32
    %dma_wait3A_410 = arith.constant 0 : i32
    %dma_wait3A_411 = tpu.memref_slice %arg1[%dma_wait3A_409, %dma_wait3A_410] : memref<16384x512xf32, #tpu.memory_space<hbm>> -> memref<64x512xf32, #tpu.memory_space<hbm>>
    tpu.wait_dma2 semaphore(%arg6 : memref<!tpu.dma_semaphore, #tpu.memory_space<semaphore_mem>>) src(%dma_wait3A_411 : memref<64x512xf32, #tpu.memory_space<hbm>>) dst(%dma_wait3A_408 : memref<64x512xf32, #tpu.memory_space<vmem_shared>>)
    %dma_start3A_412 = arith.constant 64 : i32
    %dma_start3A_413 = arith.constant 0 : i32
    %dma_start3A_414 = tpu.memref_slice %arg3[%dma_start3A_412, %dma_start3A_413] : memref<256x512xf32, #tpu.memory_space<hbm>> -> memref<64x512xf32, #tpu.memory_space<hbm>>
    %dma_start3A_415 = arith.constant 64 : i32
    %dma_start3A_416 = arith.constant 0 : i32
    %dma_start3A_417 = tpu.memref_slice %arg4[%dma_start3A_415, %dma_start3A_416] : memref<256x512xf32, #tpu.memory_space<vmem_shared>> -> memref<64x512xf32, #tpu.memory_space<vmem_shared>>
    tpu.enqueue_dma source(%dma_start3A_417 : memref<64x512xf32, #tpu.memory_space<vmem_shared>>) target(%dma_start3A_414 : memref<64x512xf32, #tpu.memory_space<hbm>>) target_semaphore(%arg11 : memref<!tpu.dma_semaphore, #tpu.memory_space<semaphore_mem>>)
    %dma_wait3A_418 = arith.constant 128 : i32
    %dma_wait3A_419 = arith.constant 0 : i32
    %dma_wait3A_420 = tpu.memref_slice %arg4[%dma_wait3A_418, %dma_wait3A_419] : memref<256x512xf32, #tpu.memory_space<vmem_shared>> -> memref<2x512xf32, #tpu.memory_space<vmem_shared>>
    %dma_wait3A_421 = arith.constant 0 : i32
    %dma_wait3A_422 = arith.constant 0 : i32
    %dma_wait3A_423 = tpu.memref_slice %arg2[%dma_wait3A_421, %dma_wait3A_422] : memref<16384x512xf32, #tpu.memory_space<hbm>> -> memref<2x512xf32, #tpu.memory_space<hbm>>
    tpu.wait_dma2 semaphore(%arg7 : memref<!tpu.dma_semaphore, #tpu.memory_space<semaphore_mem>>) src(%dma_wait3A_423 : memref<2x512xf32, #tpu.memory_space<hbm>>) dst(%dma_wait3A_420 : memref<2x512xf32, #tpu.memory_space<vmem_shared>>)
    %dma_wait3A_424 = arith.constant 130 : i32
    %dma_wait3A_425 = arith.constant 0 : i32
    %dma_wait3A_426 = tpu.memref_slice %arg4[%dma_wait3A_424, %dma_wait3A_425] : memref<256x512xf32, #tpu.memory_space<vmem_shared>> -> memref<2x512xf32, #tpu.memory_space<vmem_shared>>
    %dma_wait3A_427 = arith.constant 4 : i32
    %dma_wait3A_428 = arith.constant 0 : i32
    %dma_wait3A_429 = tpu.memref_slice %arg2[%dma_wait3A_427, %dma_wait3A_428] : memref<16384x512xf32, #tpu.memory_space<hbm>> -> memref<2x512xf32, #tpu.memory_space<hbm>>
    tpu.wait_dma2 semaphore(%arg7 : memref<!tpu.dma_semaphore, #tpu.memory_space<semaphore_mem>>) src(%dma_wait3A_429 : memref<2x512xf32, #tpu.memory_space<hbm>>) dst(%dma_wait3A_426 : memref<2x512xf32, #tpu.memory_space<vmem_shared>>)
    %dma_wait3A_430 = arith.constant 132 : i32
    %dma_wait3A_431 = arith.constant 0 : i32
    %dma_wait3A_432 = tpu.memref_slice %arg4[%dma_wait3A_430, %dma_wait3A_431] : memref<256x512xf32, #tpu.memory_space<vmem_shared>> -> memref<2x512xf32, #tpu.memory_space<vmem_shared>>
    %dma_wait3A_433 = arith.constant 8 : i32
    %dma_wait3A_434 = arith.constant 0 : i32
    %dma_wait3A_435 = tpu.memref_slice %arg2[%dma_wait3A_433, %dma_wait3A_434] : memref<16384x512xf32, #tpu.memory_space<hbm>> -> memref<2x512xf32, #tpu.memory_space<hbm>>
    tpu.wait_dma2 semaphore(%arg7 : memref<!tpu.dma_semaphore, #tpu.memory_space<semaphore_mem>>) src(%dma_wait3A_435 : memref<2x512xf32, #tpu.memory_space<hbm>>) dst(%dma_wait3A_432 : memref<2x512xf32, #tpu.memory_space<vmem_shared>>)
    %dma_wait3A_436 = arith.constant 134 : i32
    %dma_wait3A_437 = arith.constant 0 : i32
    %dma_wait3A_438 = tpu.memref_slice %arg4[%dma_wait3A_436, %dma_wait3A_437] : memref<256x512xf32, #tpu.memory_space<vmem_shared>> -> memref<2x512xf32, #tpu.memory_space<vmem_shared>>
    %dma_wait3A_439 = arith.constant 12 : i32
    %dma_wait3A_440 = arith.constant 0 : i32
    %dma_wait3A_441 = tpu.memref_slice %arg2[%dma_wait3A_439, %dma_wait3A_440] : memref<16384x512xf32, #tpu.memory_space<hbm>> -> memref<2x512xf32, #tpu.memory_space<hbm>>
    tpu.wait_dma2 semaphore(%arg7 : memref<!tpu.dma_semaphore, #tpu.memory_space<semaphore_mem>>) src(%dma_wait3A_441 : memref<2x512xf32, #tpu.memory_space<hbm>>) dst(%dma_wait3A_438 : memref<2x512xf32, #tpu.memory_space<vmem_shared>>)
    %dma_wait3A_442 = arith.constant 136 : i32
    %dma_wait3A_443 = arith.constant 0 : i32
    %dma_wait3A_444 = tpu.memref_slice %arg4[%dma_wait3A_442, %dma_wait3A_443] : memref<256x512xf32, #tpu.memory_space<vmem_shared>> -> memref<2x512xf32, #tpu.memory_space<vmem_shared>>
    %dma_wait3A_445 = arith.constant 16 : i32
    %dma_wait3A_446 = arith.constant 0 : i32
    %dma_wait3A_447 = tpu.memref_slice %arg2[%dma_wait3A_445, %dma_wait3A_446] : memref<16384x512xf32, #tpu.memory_space<hbm>> -> memref<2x512xf32, #tpu.memory_space<hbm>>
    tpu.wait_dma2 semaphore(%arg7 : memref<!tpu.dma_semaphore, #tpu.memory_space<semaphore_mem>>) src(%dma_wait3A_447 : memref<2x512xf32, #tpu.memory_space<hbm>>) dst(%dma_wait3A_444 : memref<2x512xf32, #tpu.memory_space<vmem_shared>>)
    %dma_wait3A_448 = arith.constant 138 : i32
    %dma_wait3A_449 = arith.constant 0 : i32
    %dma_wait3A_450 = tpu.memref_slice %arg4[%dma_wait3A_448, %dma_wait3A_449] : memref<256x512xf32, #tpu.memory_space<vmem_shared>> -> memref<2x512xf32, #tpu.memory_space<vmem_shared>>
    %dma_wait3A_451 = arith.constant 20 : i32
    %dma_wait3A_452 = arith.constant 0 : i32
    %dma_wait3A_453 = tpu.memref_slice %arg2[%dma_wait3A_451, %dma_wait3A_452] : memref<16384x512xf32, #tpu.memory_space<hbm>> -> memref<2x512xf32, #tpu.memory_space<hbm>>
    tpu.wait_dma2 semaphore(%arg7 : memref<!tpu.dma_semaphore, #tpu.memory_space<semaphore_mem>>) src(%dma_wait3A_453 : memref<2x512xf32, #tpu.memory_space<hbm>>) dst(%dma_wait3A_450 : memref<2x512xf32, #tpu.memory_space<vmem_shared>>)
    %dma_wait3A_454 = arith.constant 140 : i32
    %dma_wait3A_455 = arith.constant 0 : i32
    %dma_wait3A_456 = tpu.memref_slice %arg4[%dma_wait3A_454, %dma_wait3A_455] : memref<256x512xf32, #tpu.memory_space<vmem_shared>> -> memref<2x512xf32, #tpu.memory_space<vmem_shared>>
    %dma_wait3A_457 = arith.constant 24 : i32
    %dma_wait3A_458 = arith.constant 0 : i32
    %dma_wait3A_459 = tpu.memref_slice %arg2[%dma_wait3A_457, %dma_wait3A_458] : memref<16384x512xf32, #tpu.memory_space<hbm>> -> memref<2x512xf32, #tpu.memory_space<hbm>>
    tpu.wait_dma2 semaphore(%arg7 : memref<!tpu.dma_semaphore, #tpu.memory_space<semaphore_mem>>) src(%dma_wait3A_459 : memref<2x512xf32, #tpu.memory_space<hbm>>) dst(%dma_wait3A_456 : memref<2x512xf32, #tpu.memory_space<vmem_shared>>)
    %dma_wait3A_460 = arith.constant 142 : i32
    %dma_wait3A_461 = arith.constant 0 : i32
    %dma_wait3A_462 = tpu.memref_slice %arg4[%dma_wait3A_460, %dma_wait3A_461] : memref<256x512xf32, #tpu.memory_space<vmem_shared>> -> memref<2x512xf32, #tpu.memory_space<vmem_shared>>
    %dma_wait3A_463 = arith.constant 28 : i32
    %dma_wait3A_464 = arith.constant 0 : i32
    %dma_wait3A_465 = tpu.memref_slice %arg2[%dma_wait3A_463, %dma_wait3A_464] : memref<16384x512xf32, #tpu.memory_space<hbm>> -> memref<2x512xf32, #tpu.memory_space<hbm>>
    tpu.wait_dma2 semaphore(%arg7 : memref<!tpu.dma_semaphore, #tpu.memory_space<semaphore_mem>>) src(%dma_wait3A_465 : memref<2x512xf32, #tpu.memory_space<hbm>>) dst(%dma_wait3A_462 : memref<2x512xf32, #tpu.memory_space<vmem_shared>>)
    %dma_wait3A_466 = arith.constant 144 : i32
    %dma_wait3A_467 = arith.constant 0 : i32
    %dma_wait3A_468 = tpu.memref_slice %arg4[%dma_wait3A_466, %dma_wait3A_467] : memref<256x512xf32, #tpu.memory_space<vmem_shared>> -> memref<2x512xf32, #tpu.memory_space<vmem_shared>>
    %dma_wait3A_469 = arith.constant 32 : i32
    %dma_wait3A_470 = arith.constant 0 : i32
    %dma_wait3A_471 = tpu.memref_slice %arg2[%dma_wait3A_469, %dma_wait3A_470] : memref<16384x512xf32, #tpu.memory_space<hbm>> -> memref<2x512xf32, #tpu.memory_space<hbm>>
    tpu.wait_dma2 semaphore(%arg7 : memref<!tpu.dma_semaphore, #tpu.memory_space<semaphore_mem>>) src(%dma_wait3A_471 : memref<2x512xf32, #tpu.memory_space<hbm>>) dst(%dma_wait3A_468 : memref<2x512xf32, #tpu.memory_space<vmem_shared>>)
    %dma_wait3A_472 = arith.constant 146 : i32
    %dma_wait3A_473 = arith.constant 0 : i32
    %dma_wait3A_474 = tpu.memref_slice %arg4[%dma_wait3A_472, %dma_wait3A_473] : memref<256x512xf32, #tpu.memory_space<vmem_shared>> -> memref<2x512xf32, #tpu.memory_space<vmem_shared>>
    %dma_wait3A_475 = arith.constant 36 : i32
    %dma_wait3A_476 = arith.constant 0 : i32
    %dma_wait3A_477 = tpu.memref_slice %arg2[%dma_wait3A_475, %dma_wait3A_476] : memref<16384x512xf32, #tpu.memory_space<hbm>> -> memref<2x512xf32, #tpu.memory_space<hbm>>
    tpu.wait_dma2 semaphore(%arg7 : memref<!tpu.dma_semaphore, #tpu.memory_space<semaphore_mem>>) src(%dma_wait3A_477 : memref<2x512xf32, #tpu.memory_space<hbm>>) dst(%dma_wait3A_474 : memref<2x512xf32, #tpu.memory_space<vmem_shared>>)
    %dma_wait3A_478 = arith.constant 148 : i32
    %dma_wait3A_479 = arith.constant 0 : i32
    %dma_wait3A_480 = tpu.memref_slice %arg4[%dma_wait3A_478, %dma_wait3A_479] : memref<256x512xf32, #tpu.memory_space<vmem_shared>> -> memref<2x512xf32, #tpu.memory_space<vmem_shared>>
    %dma_wait3A_481 = arith.constant 40 : i32
    %dma_wait3A_482 = arith.constant 0 : i32
    %dma_wait3A_483 = tpu.memref_slice %arg2[%dma_wait3A_481, %dma_wait3A_482] : memref<16384x512xf32, #tpu.memory_space<hbm>> -> memref<2x512xf32, #tpu.memory_space<hbm>>
    tpu.wait_dma2 semaphore(%arg7 : memref<!tpu.dma_semaphore, #tpu.memory_space<semaphore_mem>>) src(%dma_wait3A_483 : memref<2x512xf32, #tpu.memory_space<hbm>>) dst(%dma_wait3A_480 : memref<2x512xf32, #tpu.memory_space<vmem_shared>>)
    %dma_wait3A_484 = arith.constant 150 : i32
    %dma_wait3A_485 = arith.constant 0 : i32
    %dma_wait3A_486 = tpu.memref_slice %arg4[%dma_wait3A_484, %dma_wait3A_485] : memref<256x512xf32, #tpu.memory_space<vmem_shared>> -> memref<2x512xf32, #tpu.memory_space<vmem_shared>>
    %dma_wait3A_487 = arith.constant 44 : i32
    %dma_wait3A_488 = arith.constant 0 : i32
    %dma_wait3A_489 = tpu.memref_slice %arg2[%dma_wait3A_487, %dma_wait3A_488] : memref<16384x512xf32, #tpu.memory_space<hbm>> -> memref<2x512xf32, #tpu.memory_space<hbm>>
    tpu.wait_dma2 semaphore(%arg7 : memref<!tpu.dma_semaphore, #tpu.memory_space<semaphore_mem>>) src(%dma_wait3A_489 : memref<2x512xf32, #tpu.memory_space<hbm>>) dst(%dma_wait3A_486 : memref<2x512xf32, #tpu.memory_space<vmem_shared>>)
    %dma_wait3A_490 = arith.constant 152 : i32
    %dma_wait3A_491 = arith.constant 0 : i32
    %dma_wait3A_492 = tpu.memref_slice %arg4[%dma_wait3A_490, %dma_wait3A_491] : memref<256x512xf32, #tpu.memory_space<vmem_shared>> -> memref<2x512xf32, #tpu.memory_space<vmem_shared>>
    %dma_wait3A_493 = arith.constant 48 : i32
    %dma_wait3A_494 = arith.constant 0 : i32
    %dma_wait3A_495 = tpu.memref_slice %arg2[%dma_wait3A_493, %dma_wait3A_494] : memref<16384x512xf32, #tpu.memory_space<hbm>> -> memref<2x512xf32, #tpu.memory_space<hbm>>
    tpu.wait_dma2 semaphore(%arg7 : memref<!tpu.dma_semaphore, #tpu.memory_space<semaphore_mem>>) src(%dma_wait3A_495 : memref<2x512xf32, #tpu.memory_space<hbm>>) dst(%dma_wait3A_492 : memref<2x512xf32, #tpu.memory_space<vmem_shared>>)
    %dma_wait3A_496 = arith.constant 154 : i32
    %dma_wait3A_497 = arith.constant 0 : i32
    %dma_wait3A_498 = tpu.memref_slice %arg4[%dma_wait3A_496, %dma_wait3A_497] : memref<256x512xf32, #tpu.memory_space<vmem_shared>> -> memref<2x512xf32, #tpu.memory_space<vmem_shared>>
    %dma_wait3A_499 = arith.constant 52 : i32
    %dma_wait3A_500 = arith.constant 0 : i32
    %dma_wait3A_501 = tpu.memref_slice %arg2[%dma_wait3A_499, %dma_wait3A_500] : memref<16384x512xf32, #tpu.memory_space<hbm>> -> memref<2x512xf32, #tpu.memory_space<hbm>>
    tpu.wait_dma2 semaphore(%arg7 : memref<!tpu.dma_semaphore, #tpu.memory_space<semaphore_mem>>) src(%dma_wait3A_501 : memref<2x512xf32, #tpu.memory_space<hbm>>) dst(%dma_wait3A_498 : memref<2x512xf32, #tpu.memory_space<vmem_shared>>)
    %dma_wait3A_502 = arith.constant 156 : i32
    %dma_wait3A_503 = arith.constant 0 : i32
    %dma_wait3A_504 = tpu.memref_slice %arg4[%dma_wait3A_502, %dma_wait3A_503] : memref<256x512xf32, #tpu.memory_space<vmem_shared>> -> memref<2x512xf32, #tpu.memory_space<vmem_shared>>
    %dma_wait3A_505 = arith.constant 56 : i32
    %dma_wait3A_506 = arith.constant 0 : i32
    %dma_wait3A_507 = tpu.memref_slice %arg2[%dma_wait3A_505, %dma_wait3A_506] : memref<16384x512xf32, #tpu.memory_space<hbm>> -> memref<2x512xf32, #tpu.memory_space<hbm>>
    tpu.wait_dma2 semaphore(%arg7 : memref<!tpu.dma_semaphore, #tpu.memory_space<semaphore_mem>>) src(%dma_wait3A_507 : memref<2x512xf32, #tpu.memory_space<hbm>>) dst(%dma_wait3A_504 : memref<2x512xf32, #tpu.memory_space<vmem_shared>>)
    %dma_wait3A_508 = arith.constant 158 : i32
    %dma_wait3A_509 = arith.constant 0 : i32
    %dma_wait3A_510 = tpu.memref_slice %arg4[%dma_wait3A_508, %dma_wait3A_509] : memref<256x512xf32, #tpu.memory_space<vmem_shared>> -> memref<2x512xf32, #tpu.memory_space<vmem_shared>>
    %dma_wait3A_511 = arith.constant 60 : i32
    %dma_wait3A_512 = arith.constant 0 : i32
    %dma_wait3A_513 = tpu.memref_slice %arg2[%dma_wait3A_511, %dma_wait3A_512] : memref<16384x512xf32, #tpu.memory_space<hbm>> -> memref<2x512xf32, #tpu.memory_space<hbm>>
    tpu.wait_dma2 semaphore(%arg7 : memref<!tpu.dma_semaphore, #tpu.memory_space<semaphore_mem>>) src(%dma_wait3A_513 : memref<2x512xf32, #tpu.memory_space<hbm>>) dst(%dma_wait3A_510 : memref<2x512xf32, #tpu.memory_space<vmem_shared>>)
    %dma_start3A_514 = arith.constant 128 : i32
    %dma_start3A_515 = arith.constant 0 : i32
    %dma_start3A_516 = tpu.memref_slice %arg3[%dma_start3A_514, %dma_start3A_515] : memref<256x512xf32, #tpu.memory_space<hbm>> -> memref<32x512xf32, #tpu.memory_space<hbm>>
    %dma_start3A_517 = arith.constant 128 : i32
    %dma_start3A_518 = arith.constant 0 : i32
    %dma_start3A_519 = tpu.memref_slice %arg4[%dma_start3A_517, %dma_start3A_518] : memref<256x512xf32, #tpu.memory_space<vmem_shared>> -> memref<32x512xf32, #tpu.memory_space<vmem_shared>>
    tpu.enqueue_dma source(%dma_start3A_519 : memref<32x512xf32, #tpu.memory_space<vmem_shared>>) target(%dma_start3A_516 : memref<32x512xf32, #tpu.memory_space<hbm>>) target_semaphore(%arg11 : memref<!tpu.dma_semaphore, #tpu.memory_space<semaphore_mem>>)
    %dma_wait3A_520 = arith.constant 160 : i32
    %dma_wait3A_521 = arith.constant 0 : i32
    %dma_wait3A_522 = tpu.memref_slice %arg4[%dma_wait3A_520, %dma_wait3A_521] : memref<256x512xf32, #tpu.memory_space<vmem_shared>> -> memref<2x512xf32, #tpu.memory_space<vmem_shared>>
    %dma_wait3A_523 = arith.constant 64 : i32
    %dma_wait3A_524 = arith.constant 0 : i32
    %dma_wait3A_525 = tpu.memref_slice %arg2[%dma_wait3A_523, %dma_wait3A_524] : memref<16384x512xf32, #tpu.memory_space<hbm>> -> memref<2x512xf32, #tpu.memory_space<hbm>>
    tpu.wait_dma2 semaphore(%arg8 : memref<!tpu.dma_semaphore, #tpu.memory_space<semaphore_mem>>) src(%dma_wait3A_525 : memref<2x512xf32, #tpu.memory_space<hbm>>) dst(%dma_wait3A_522 : memref<2x512xf32, #tpu.memory_space<vmem_shared>>)
    %dma_wait3A_526 = arith.constant 162 : i32
    %dma_wait3A_527 = arith.constant 0 : i32
    %dma_wait3A_528 = tpu.memref_slice %arg4[%dma_wait3A_526, %dma_wait3A_527] : memref<256x512xf32, #tpu.memory_space<vmem_shared>> -> memref<2x512xf32, #tpu.memory_space<vmem_shared>>
    %dma_wait3A_529 = arith.constant 68 : i32
    %dma_wait3A_530 = arith.constant 0 : i32
    %dma_wait3A_531 = tpu.memref_slice %arg2[%dma_wait3A_529, %dma_wait3A_530] : memref<16384x512xf32, #tpu.memory_space<hbm>> -> memref<2x512xf32, #tpu.memory_space<hbm>>
    tpu.wait_dma2 semaphore(%arg8 : memref<!tpu.dma_semaphore, #tpu.memory_space<semaphore_mem>>) src(%dma_wait3A_531 : memref<2x512xf32, #tpu.memory_space<hbm>>) dst(%dma_wait3A_528 : memref<2x512xf32, #tpu.memory_space<vmem_shared>>)
    %dma_wait3A_532 = arith.constant 164 : i32
    %dma_wait3A_533 = arith.constant 0 : i32
    %dma_wait3A_534 = tpu.memref_slice %arg4[%dma_wait3A_532, %dma_wait3A_533] : memref<256x512xf32, #tpu.memory_space<vmem_shared>> -> memref<2x512xf32, #tpu.memory_space<vmem_shared>>
    %dma_wait3A_535 = arith.constant 72 : i32
    %dma_wait3A_536 = arith.constant 0 : i32
    %dma_wait3A_537 = tpu.memref_slice %arg2[%dma_wait3A_535, %dma_wait3A_536] : memref<16384x512xf32, #tpu.memory_space<hbm>> -> memref<2x512xf32, #tpu.memory_space<hbm>>
    tpu.wait_dma2 semaphore(%arg8 : memref<!tpu.dma_semaphore, #tpu.memory_space<semaphore_mem>>) src(%dma_wait3A_537 : memref<2x512xf32, #tpu.memory_space<hbm>>) dst(%dma_wait3A_534 : memref<2x512xf32, #tpu.memory_space<vmem_shared>>)
    %dma_wait3A_538 = arith.constant 166 : i32
    %dma_wait3A_539 = arith.constant 0 : i32
    %dma_wait3A_540 = tpu.memref_slice %arg4[%dma_wait3A_538, %dma_wait3A_539] : memref<256x512xf32, #tpu.memory_space<vmem_shared>> -> memref<2x512xf32, #tpu.memory_space<vmem_shared>>
    %dma_wait3A_541 = arith.constant 76 : i32
    %dma_wait3A_542 = arith.constant 0 : i32
    %dma_wait3A_543 = tpu.memref_slice %arg2[%dma_wait3A_541, %dma_wait3A_542] : memref<16384x512xf32, #tpu.memory_space<hbm>> -> memref<2x512xf32, #tpu.memory_space<hbm>>
    tpu.wait_dma2 semaphore(%arg8 : memref<!tpu.dma_semaphore, #tpu.memory_space<semaphore_mem>>) src(%dma_wait3A_543 : memref<2x512xf32, #tpu.memory_space<hbm>>) dst(%dma_wait3A_540 : memref<2x512xf32, #tpu.memory_space<vmem_shared>>)
    %dma_wait3A_544 = arith.constant 168 : i32
    %dma_wait3A_545 = arith.constant 0 : i32
    %dma_wait3A_546 = tpu.memref_slice %arg4[%dma_wait3A_544, %dma_wait3A_545] : memref<256x512xf32, #tpu.memory_space<vmem_shared>> -> memref<2x512xf32, #tpu.memory_space<vmem_shared>>
    %dma_wait3A_547 = arith.constant 80 : i32
    %dma_wait3A_548 = arith.constant 0 : i32
    %dma_wait3A_549 = tpu.memref_slice %arg2[%dma_wait3A_547, %dma_wait3A_548] : memref<16384x512xf32, #tpu.memory_space<hbm>> -> memref<2x512xf32, #tpu.memory_space<hbm>>
    tpu.wait_dma2 semaphore(%arg8 : memref<!tpu.dma_semaphore, #tpu.memory_space<semaphore_mem>>) src(%dma_wait3A_549 : memref<2x512xf32, #tpu.memory_space<hbm>>) dst(%dma_wait3A_546 : memref<2x512xf32, #tpu.memory_space<vmem_shared>>)
    %dma_wait3A_550 = arith.constant 170 : i32
    %dma_wait3A_551 = arith.constant 0 : i32
    %dma_wait3A_552 = tpu.memref_slice %arg4[%dma_wait3A_550, %dma_wait3A_551] : memref<256x512xf32, #tpu.memory_space<vmem_shared>> -> memref<2x512xf32, #tpu.memory_space<vmem_shared>>
    %dma_wait3A_553 = arith.constant 84 : i32
    %dma_wait3A_554 = arith.constant 0 : i32
    %dma_wait3A_555 = tpu.memref_slice %arg2[%dma_wait3A_553, %dma_wait3A_554] : memref<16384x512xf32, #tpu.memory_space<hbm>> -> memref<2x512xf32, #tpu.memory_space<hbm>>
    tpu.wait_dma2 semaphore(%arg8 : memref<!tpu.dma_semaphore, #tpu.memory_space<semaphore_mem>>) src(%dma_wait3A_555 : memref<2x512xf32, #tpu.memory_space<hbm>>) dst(%dma_wait3A_552 : memref<2x512xf32, #tpu.memory_space<vmem_shared>>)
    %dma_wait3A_556 = arith.constant 172 : i32
    %dma_wait3A_557 = arith.constant 0 : i32
    %dma_wait3A_558 = tpu.memref_slice %arg4[%dma_wait3A_556, %dma_wait3A_557] : memref<256x512xf32, #tpu.memory_space<vmem_shared>> -> memref<2x512xf32, #tpu.memory_space<vmem_shared>>
    %dma_wait3A_559 = arith.constant 88 : i32
    %dma_wait3A_560 = arith.constant 0 : i32
    %dma_wait3A_561 = tpu.memref_slice %arg2[%dma_wait3A_559, %dma_wait3A_560] : memref<16384x512xf32, #tpu.memory_space<hbm>> -> memref<2x512xf32, #tpu.memory_space<hbm>>
    tpu.wait_dma2 semaphore(%arg8 : memref<!tpu.dma_semaphore, #tpu.memory_space<semaphore_mem>>) src(%dma_wait3A_561 : memref<2x512xf32, #tpu.memory_space<hbm>>) dst(%dma_wait3A_558 : memref<2x512xf32, #tpu.memory_space<vmem_shared>>)
    %dma_wait3A_562 = arith.constant 174 : i32
    %dma_wait3A_563 = arith.constant 0 : i32
    %dma_wait3A_564 = tpu.memref_slice %arg4[%dma_wait3A_562, %dma_wait3A_563] : memref<256x512xf32, #tpu.memory_space<vmem_shared>> -> memref<2x512xf32, #tpu.memory_space<vmem_shared>>
    %dma_wait3A_565 = arith.constant 92 : i32
    %dma_wait3A_566 = arith.constant 0 : i32
    %dma_wait3A_567 = tpu.memref_slice %arg2[%dma_wait3A_565, %dma_wait3A_566] : memref<16384x512xf32, #tpu.memory_space<hbm>> -> memref<2x512xf32, #tpu.memory_space<hbm>>
    tpu.wait_dma2 semaphore(%arg8 : memref<!tpu.dma_semaphore, #tpu.memory_space<semaphore_mem>>) src(%dma_wait3A_567 : memref<2x512xf32, #tpu.memory_space<hbm>>) dst(%dma_wait3A_564 : memref<2x512xf32, #tpu.memory_space<vmem_shared>>)
    %dma_wait3A_568 = arith.constant 176 : i32
    %dma_wait3A_569 = arith.constant 0 : i32
    %dma_wait3A_570 = tpu.memref_slice %arg4[%dma_wait3A_568, %dma_wait3A_569] : memref<256x512xf32, #tpu.memory_space<vmem_shared>> -> memref<2x512xf32, #tpu.memory_space<vmem_shared>>
    %dma_wait3A_571 = arith.constant 96 : i32
    %dma_wait3A_572 = arith.constant 0 : i32
    %dma_wait3A_573 = tpu.memref_slice %arg2[%dma_wait3A_571, %dma_wait3A_572] : memref<16384x512xf32, #tpu.memory_space<hbm>> -> memref<2x512xf32, #tpu.memory_space<hbm>>
    tpu.wait_dma2 semaphore(%arg8 : memref<!tpu.dma_semaphore, #tpu.memory_space<semaphore_mem>>) src(%dma_wait3A_573 : memref<2x512xf32, #tpu.memory_space<hbm>>) dst(%dma_wait3A_570 : memref<2x512xf32, #tpu.memory_space<vmem_shared>>)
    %dma_wait3A_574 = arith.constant 178 : i32
    %dma_wait3A_575 = arith.constant 0 : i32
    %dma_wait3A_576 = tpu.memref_slice %arg4[%dma_wait3A_574, %dma_wait3A_575] : memref<256x512xf32, #tpu.memory_space<vmem_shared>> -> memref<2x512xf32, #tpu.memory_space<vmem_shared>>
    %dma_wait3A_577 = arith.constant 100 : i32
    %dma_wait3A_578 = arith.constant 0 : i32
    %dma_wait3A_579 = tpu.memref_slice %arg2[%dma_wait3A_577, %dma_wait3A_578] : memref<16384x512xf32, #tpu.memory_space<hbm>> -> memref<2x512xf32, #tpu.memory_space<hbm>>
    tpu.wait_dma2 semaphore(%arg8 : memref<!tpu.dma_semaphore, #tpu.memory_space<semaphore_mem>>) src(%dma_wait3A_579 : memref<2x512xf32, #tpu.memory_space<hbm>>) dst(%dma_wait3A_576 : memref<2x512xf32, #tpu.memory_space<vmem_shared>>)
    %dma_wait3A_580 = arith.constant 180 : i32
    %dma_wait3A_581 = arith.constant 0 : i32
    %dma_wait3A_582 = tpu.memref_slice %arg4[%dma_wait3A_580, %dma_wait3A_581] : memref<256x512xf32, #tpu.memory_space<vmem_shared>> -> memref<2x512xf32, #tpu.memory_space<vmem_shared>>
    %dma_wait3A_583 = arith.constant 104 : i32
    %dma_wait3A_584 = arith.constant 0 : i32
    %dma_wait3A_585 = tpu.memref_slice %arg2[%dma_wait3A_583, %dma_wait3A_584] : memref<16384x512xf32, #tpu.memory_space<hbm>> -> memref<2x512xf32, #tpu.memory_space<hbm>>
    tpu.wait_dma2 semaphore(%arg8 : memref<!tpu.dma_semaphore, #tpu.memory_space<semaphore_mem>>) src(%dma_wait3A_585 : memref<2x512xf32, #tpu.memory_space<hbm>>) dst(%dma_wait3A_582 : memref<2x512xf32, #tpu.memory_space<vmem_shared>>)
    %dma_wait3A_586 = arith.constant 182 : i32
    %dma_wait3A_587 = arith.constant 0 : i32
    %dma_wait3A_588 = tpu.memref_slice %arg4[%dma_wait3A_586, %dma_wait3A_587] : memref<256x512xf32, #tpu.memory_space<vmem_shared>> -> memref<2x512xf32, #tpu.memory_space<vmem_shared>>
    %dma_wait3A_589 = arith.constant 108 : i32
    %dma_wait3A_590 = arith.constant 0 : i32
    %dma_wait3A_591 = tpu.memref_slice %arg2[%dma_wait3A_589, %dma_wait3A_590] : memref<16384x512xf32, #tpu.memory_space<hbm>> -> memref<2x512xf32, #tpu.memory_space<hbm>>
    tpu.wait_dma2 semaphore(%arg8 : memref<!tpu.dma_semaphore, #tpu.memory_space<semaphore_mem>>) src(%dma_wait3A_591 : memref<2x512xf32, #tpu.memory_space<hbm>>) dst(%dma_wait3A_588 : memref<2x512xf32, #tpu.memory_space<vmem_shared>>)
    %dma_wait3A_592 = arith.constant 184 : i32
    %dma_wait3A_593 = arith.constant 0 : i32
    %dma_wait3A_594 = tpu.memref_slice %arg4[%dma_wait3A_592, %dma_wait3A_593] : memref<256x512xf32, #tpu.memory_space<vmem_shared>> -> memref<2x512xf32, #tpu.memory_space<vmem_shared>>
    %dma_wait3A_595 = arith.constant 112 : i32
    %dma_wait3A_596 = arith.constant 0 : i32
    %dma_wait3A_597 = tpu.memref_slice %arg2[%dma_wait3A_595, %dma_wait3A_596] : memref<16384x512xf32, #tpu.memory_space<hbm>> -> memref<2x512xf32, #tpu.memory_space<hbm>>
    tpu.wait_dma2 semaphore(%arg8 : memref<!tpu.dma_semaphore, #tpu.memory_space<semaphore_mem>>) src(%dma_wait3A_597 : memref<2x512xf32, #tpu.memory_space<hbm>>) dst(%dma_wait3A_594 : memref<2x512xf32, #tpu.memory_space<vmem_shared>>)
    %dma_wait3A_598 = arith.constant 186 : i32
    %dma_wait3A_599 = arith.constant 0 : i32
    %dma_wait3A_600 = tpu.memref_slice %arg4[%dma_wait3A_598, %dma_wait3A_599] : memref<256x512xf32, #tpu.memory_space<vmem_shared>> -> memref<2x512xf32, #tpu.memory_space<vmem_shared>>
    %dma_wait3A_601 = arith.constant 116 : i32
    %dma_wait3A_602 = arith.constant 0 : i32
    %dma_wait3A_603 = tpu.memref_slice %arg2[%dma_wait3A_601, %dma_wait3A_602] : memref<16384x512xf32, #tpu.memory_space<hbm>> -> memref<2x512xf32, #tpu.memory_space<hbm>>
    tpu.wait_dma2 semaphore(%arg8 : memref<!tpu.dma_semaphore, #tpu.memory_space<semaphore_mem>>) src(%dma_wait3A_603 : memref<2x512xf32, #tpu.memory_space<hbm>>) dst(%dma_wait3A_600 : memref<2x512xf32, #tpu.memory_space<vmem_shared>>)
    %dma_wait3A_604 = arith.constant 188 : i32
    %dma_wait3A_605 = arith.constant 0 : i32
    %dma_wait3A_606 = tpu.memref_slice %arg4[%dma_wait3A_604, %dma_wait3A_605] : memref<256x512xf32, #tpu.memory_space<vmem_shared>> -> memref<2x512xf32, #tpu.memory_space<vmem_shared>>
    %dma_wait3A_607 = arith.constant 120 : i32
    %dma_wait3A_608 = arith.constant 0 : i32
    %dma_wait3A_609 = tpu.memref_slice %arg2[%dma_wait3A_607, %dma_wait3A_608] : memref<16384x512xf32, #tpu.memory_space<hbm>> -> memref<2x512xf32, #tpu.memory_space<hbm>>
    tpu.wait_dma2 semaphore(%arg8 : memref<!tpu.dma_semaphore, #tpu.memory_space<semaphore_mem>>) src(%dma_wait3A_609 : memref<2x512xf32, #tpu.memory_space<hbm>>) dst(%dma_wait3A_606 : memref<2x512xf32, #tpu.memory_space<vmem_shared>>)
    %dma_wait3A_610 = arith.constant 190 : i32
    %dma_wait3A_611 = arith.constant 0 : i32
    %dma_wait3A_612 = tpu.memref_slice %arg4[%dma_wait3A_610, %dma_wait3A_611] : memref<256x512xf32, #tpu.memory_space<vmem_shared>> -> memref<2x512xf32, #tpu.memory_space<vmem_shared>>
    %dma_wait3A_613 = arith.constant 124 : i32
    %dma_wait3A_614 = arith.constant 0 : i32
    %dma_wait3A_615 = tpu.memref_slice %arg2[%dma_wait3A_613, %dma_wait3A_614] : memref<16384x512xf32, #tpu.memory_space<hbm>> -> memref<2x512xf32, #tpu.memory_space<hbm>>
    tpu.wait_dma2 semaphore(%arg8 : memref<!tpu.dma_semaphore, #tpu.memory_space<semaphore_mem>>) src(%dma_wait3A_615 : memref<2x512xf32, #tpu.memory_space<hbm>>) dst(%dma_wait3A_612 : memref<2x512xf32, #tpu.memory_space<vmem_shared>>)
    %dma_start3A_616 = arith.constant 160 : i32
    %dma_start3A_617 = arith.constant 0 : i32
    %dma_start3A_618 = tpu.memref_slice %arg3[%dma_start3A_616, %dma_start3A_617] : memref<256x512xf32, #tpu.memory_space<hbm>> -> memref<32x512xf32, #tpu.memory_space<hbm>>
    %dma_start3A_619 = arith.constant 160 : i32
    %dma_start3A_620 = arith.constant 0 : i32
    %dma_start3A_621 = tpu.memref_slice %arg4[%dma_start3A_619, %dma_start3A_620] : memref<256x512xf32, #tpu.memory_space<vmem_shared>> -> memref<32x512xf32, #tpu.memory_space<vmem_shared>>
    tpu.enqueue_dma source(%dma_start3A_621 : memref<32x512xf32, #tpu.memory_space<vmem_shared>>) target(%dma_start3A_618 : memref<32x512xf32, #tpu.memory_space<hbm>>) target_semaphore(%arg11 : memref<!tpu.dma_semaphore, #tpu.memory_space<semaphore_mem>>)
    %dma_wait3A_622 = arith.constant 192 : i32
    %dma_wait3A_623 = arith.constant 0 : i32
    %dma_wait3A_624 = tpu.memref_slice %arg4[%dma_wait3A_622, %dma_wait3A_623] : memref<256x512xf32, #tpu.memory_space<vmem_shared>> -> memref<2x512xf32, #tpu.memory_space<vmem_shared>>
    %dma_wait3A_625 = arith.constant 128 : i32
    %dma_wait3A_626 = arith.constant 0 : i32
    %dma_wait3A_627 = tpu.memref_slice %arg2[%dma_wait3A_625, %dma_wait3A_626] : memref<16384x512xf32, #tpu.memory_space<hbm>> -> memref<2x512xf32, #tpu.memory_space<hbm>>
    tpu.wait_dma2 semaphore(%arg9 : memref<!tpu.dma_semaphore, #tpu.memory_space<semaphore_mem>>) src(%dma_wait3A_627 : memref<2x512xf32, #tpu.memory_space<hbm>>) dst(%dma_wait3A_624 : memref<2x512xf32, #tpu.memory_space<vmem_shared>>)
    %dma_wait3A_628 = arith.constant 194 : i32
    %dma_wait3A_629 = arith.constant 0 : i32
    %dma_wait3A_630 = tpu.memref_slice %arg4[%dma_wait3A_628, %dma_wait3A_629] : memref<256x512xf32, #tpu.memory_space<vmem_shared>> -> memref<2x512xf32, #tpu.memory_space<vmem_shared>>
    %dma_wait3A_631 = arith.constant 132 : i32
    %dma_wait3A_632 = arith.constant 0 : i32
    %dma_wait3A_633 = tpu.memref_slice %arg2[%dma_wait3A_631, %dma_wait3A_632] : memref<16384x512xf32, #tpu.memory_space<hbm>> -> memref<2x512xf32, #tpu.memory_space<hbm>>
    tpu.wait_dma2 semaphore(%arg9 : memref<!tpu.dma_semaphore, #tpu.memory_space<semaphore_mem>>) src(%dma_wait3A_633 : memref<2x512xf32, #tpu.memory_space<hbm>>) dst(%dma_wait3A_630 : memref<2x512xf32, #tpu.memory_space<vmem_shared>>)
    %dma_wait3A_634 = arith.constant 196 : i32
    %dma_wait3A_635 = arith.constant 0 : i32
    %dma_wait3A_636 = tpu.memref_slice %arg4[%dma_wait3A_634, %dma_wait3A_635] : memref<256x512xf32, #tpu.memory_space<vmem_shared>> -> memref<2x512xf32, #tpu.memory_space<vmem_shared>>
    %dma_wait3A_637 = arith.constant 136 : i32
    %dma_wait3A_638 = arith.constant 0 : i32
    %dma_wait3A_639 = tpu.memref_slice %arg2[%dma_wait3A_637, %dma_wait3A_638] : memref<16384x512xf32, #tpu.memory_space<hbm>> -> memref<2x512xf32, #tpu.memory_space<hbm>>
    tpu.wait_dma2 semaphore(%arg9 : memref<!tpu.dma_semaphore, #tpu.memory_space<semaphore_mem>>) src(%dma_wait3A_639 : memref<2x512xf32, #tpu.memory_space<hbm>>) dst(%dma_wait3A_636 : memref<2x512xf32, #tpu.memory_space<vmem_shared>>)
    %dma_wait3A_640 = arith.constant 198 : i32
    %dma_wait3A_641 = arith.constant 0 : i32
    %dma_wait3A_642 = tpu.memref_slice %arg4[%dma_wait3A_640, %dma_wait3A_641] : memref<256x512xf32, #tpu.memory_space<vmem_shared>> -> memref<2x512xf32, #tpu.memory_space<vmem_shared>>
    %dma_wait3A_643 = arith.constant 140 : i32
    %dma_wait3A_644 = arith.constant 0 : i32
    %dma_wait3A_645 = tpu.memref_slice %arg2[%dma_wait3A_643, %dma_wait3A_644] : memref<16384x512xf32, #tpu.memory_space<hbm>> -> memref<2x512xf32, #tpu.memory_space<hbm>>
    tpu.wait_dma2 semaphore(%arg9 : memref<!tpu.dma_semaphore, #tpu.memory_space<semaphore_mem>>) src(%dma_wait3A_645 : memref<2x512xf32, #tpu.memory_space<hbm>>) dst(%dma_wait3A_642 : memref<2x512xf32, #tpu.memory_space<vmem_shared>>)
    %dma_wait3A_646 = arith.constant 200 : i32
    %dma_wait3A_647 = arith.constant 0 : i32
    %dma_wait3A_648 = tpu.memref_slice %arg4[%dma_wait3A_646, %dma_wait3A_647] : memref<256x512xf32, #tpu.memory_space<vmem_shared>> -> memref<2x512xf32, #tpu.memory_space<vmem_shared>>
    %dma_wait3A_649 = arith.constant 144 : i32
    %dma_wait3A_650 = arith.constant 0 : i32
    %dma_wait3A_651 = tpu.memref_slice %arg2[%dma_wait3A_649, %dma_wait3A_650] : memref<16384x512xf32, #tpu.memory_space<hbm>> -> memref<2x512xf32, #tpu.memory_space<hbm>>
    tpu.wait_dma2 semaphore(%arg9 : memref<!tpu.dma_semaphore, #tpu.memory_space<semaphore_mem>>) src(%dma_wait3A_651 : memref<2x512xf32, #tpu.memory_space<hbm>>) dst(%dma_wait3A_648 : memref<2x512xf32, #tpu.memory_space<vmem_shared>>)
    %dma_wait3A_652 = arith.constant 202 : i32
    %dma_wait3A_653 = arith.constant 0 : i32
    %dma_wait3A_654 = tpu.memref_slice %arg4[%dma_wait3A_652, %dma_wait3A_653] : memref<256x512xf32, #tpu.memory_space<vmem_shared>> -> memref<2x512xf32, #tpu.memory_space<vmem_shared>>
    %dma_wait3A_655 = arith.constant 148 : i32
    %dma_wait3A_656 = arith.constant 0 : i32
    %dma_wait3A_657 = tpu.memref_slice %arg2[%dma_wait3A_655, %dma_wait3A_656] : memref<16384x512xf32, #tpu.memory_space<hbm>> -> memref<2x512xf32, #tpu.memory_space<hbm>>
    tpu.wait_dma2 semaphore(%arg9 : memref<!tpu.dma_semaphore, #tpu.memory_space<semaphore_mem>>) src(%dma_wait3A_657 : memref<2x512xf32, #tpu.memory_space<hbm>>) dst(%dma_wait3A_654 : memref<2x512xf32, #tpu.memory_space<vmem_shared>>)
    %dma_wait3A_658 = arith.constant 204 : i32
    %dma_wait3A_659 = arith.constant 0 : i32
    %dma_wait3A_660 = tpu.memref_slice %arg4[%dma_wait3A_658, %dma_wait3A_659] : memref<256x512xf32, #tpu.memory_space<vmem_shared>> -> memref<2x512xf32, #tpu.memory_space<vmem_shared>>
    %dma_wait3A_661 = arith.constant 152 : i32
    %dma_wait3A_662 = arith.constant 0 : i32
    %dma_wait3A_663 = tpu.memref_slice %arg2[%dma_wait3A_661, %dma_wait3A_662] : memref<16384x512xf32, #tpu.memory_space<hbm>> -> memref<2x512xf32, #tpu.memory_space<hbm>>
    tpu.wait_dma2 semaphore(%arg9 : memref<!tpu.dma_semaphore, #tpu.memory_space<semaphore_mem>>) src(%dma_wait3A_663 : memref<2x512xf32, #tpu.memory_space<hbm>>) dst(%dma_wait3A_660 : memref<2x512xf32, #tpu.memory_space<vmem_shared>>)
    %dma_wait3A_664 = arith.constant 206 : i32
    %dma_wait3A_665 = arith.constant 0 : i32
    %dma_wait3A_666 = tpu.memref_slice %arg4[%dma_wait3A_664, %dma_wait3A_665] : memref<256x512xf32, #tpu.memory_space<vmem_shared>> -> memref<2x512xf32, #tpu.memory_space<vmem_shared>>
    %dma_wait3A_667 = arith.constant 156 : i32
    %dma_wait3A_668 = arith.constant 0 : i32
    %dma_wait3A_669 = tpu.memref_slice %arg2[%dma_wait3A_667, %dma_wait3A_668] : memref<16384x512xf32, #tpu.memory_space<hbm>> -> memref<2x512xf32, #tpu.memory_space<hbm>>
    tpu.wait_dma2 semaphore(%arg9 : memref<!tpu.dma_semaphore, #tpu.memory_space<semaphore_mem>>) src(%dma_wait3A_669 : memref<2x512xf32, #tpu.memory_space<hbm>>) dst(%dma_wait3A_666 : memref<2x512xf32, #tpu.memory_space<vmem_shared>>)
    %dma_wait3A_670 = arith.constant 208 : i32
    %dma_wait3A_671 = arith.constant 0 : i32
    %dma_wait3A_672 = tpu.memref_slice %arg4[%dma_wait3A_670, %dma_wait3A_671] : memref<256x512xf32, #tpu.memory_space<vmem_shared>> -> memref<2x512xf32, #tpu.memory_space<vmem_shared>>
    %dma_wait3A_673 = arith.constant 160 : i32
    %dma_wait3A_674 = arith.constant 0 : i32
    %dma_wait3A_675 = tpu.memref_slice %arg2[%dma_wait3A_673, %dma_wait3A_674] : memref<16384x512xf32, #tpu.memory_space<hbm>> -> memref<2x512xf32, #tpu.memory_space<hbm>>
    tpu.wait_dma2 semaphore(%arg9 : memref<!tpu.dma_semaphore, #tpu.memory_space<semaphore_mem>>) src(%dma_wait3A_675 : memref<2x512xf32, #tpu.memory_space<hbm>>) dst(%dma_wait3A_672 : memref<2x512xf32, #tpu.memory_space<vmem_shared>>)
    %dma_wait3A_676 = arith.constant 210 : i32
    %dma_wait3A_677 = arith.constant 0 : i32
    %dma_wait3A_678 = tpu.memref_slice %arg4[%dma_wait3A_676, %dma_wait3A_677] : memref<256x512xf32, #tpu.memory_space<vmem_shared>> -> memref<2x512xf32, #tpu.memory_space<vmem_shared>>
    %dma_wait3A_679 = arith.constant 164 : i32
    %dma_wait3A_680 = arith.constant 0 : i32
    %dma_wait3A_681 = tpu.memref_slice %arg2[%dma_wait3A_679, %dma_wait3A_680] : memref<16384x512xf32, #tpu.memory_space<hbm>> -> memref<2x512xf32, #tpu.memory_space<hbm>>
    tpu.wait_dma2 semaphore(%arg9 : memref<!tpu.dma_semaphore, #tpu.memory_space<semaphore_mem>>) src(%dma_wait3A_681 : memref<2x512xf32, #tpu.memory_space<hbm>>) dst(%dma_wait3A_678 : memref<2x512xf32, #tpu.memory_space<vmem_shared>>)
    %dma_wait3A_682 = arith.constant 212 : i32
    %dma_wait3A_683 = arith.constant 0 : i32
    %dma_wait3A_684 = tpu.memref_slice %arg4[%dma_wait3A_682, %dma_wait3A_683] : memref<256x512xf32, #tpu.memory_space<vmem_shared>> -> memref<2x512xf32, #tpu.memory_space<vmem_shared>>
    %dma_wait3A_685 = arith.constant 168 : i32
    %dma_wait3A_686 = arith.constant 0 : i32
    %dma_wait3A_687 = tpu.memref_slice %arg2[%dma_wait3A_685, %dma_wait3A_686] : memref<16384x512xf32, #tpu.memory_space<hbm>> -> memref<2x512xf32, #tpu.memory_space<hbm>>
    tpu.wait_dma2 semaphore(%arg9 : memref<!tpu.dma_semaphore, #tpu.memory_space<semaphore_mem>>) src(%dma_wait3A_687 : memref<2x512xf32, #tpu.memory_space<hbm>>) dst(%dma_wait3A_684 : memref<2x512xf32, #tpu.memory_space<vmem_shared>>)
    %dma_wait3A_688 = arith.constant 214 : i32
    %dma_wait3A_689 = arith.constant 0 : i32
    %dma_wait3A_690 = tpu.memref_slice %arg4[%dma_wait3A_688, %dma_wait3A_689] : memref<256x512xf32, #tpu.memory_space<vmem_shared>> -> memref<2x512xf32, #tpu.memory_space<vmem_shared>>
    %dma_wait3A_691 = arith.constant 172 : i32
    %dma_wait3A_692 = arith.constant 0 : i32
    %dma_wait3A_693 = tpu.memref_slice %arg2[%dma_wait3A_691, %dma_wait3A_692] : memref<16384x512xf32, #tpu.memory_space<hbm>> -> memref<2x512xf32, #tpu.memory_space<hbm>>
    tpu.wait_dma2 semaphore(%arg9 : memref<!tpu.dma_semaphore, #tpu.memory_space<semaphore_mem>>) src(%dma_wait3A_693 : memref<2x512xf32, #tpu.memory_space<hbm>>) dst(%dma_wait3A_690 : memref<2x512xf32, #tpu.memory_space<vmem_shared>>)
    %dma_wait3A_694 = arith.constant 216 : i32
    %dma_wait3A_695 = arith.constant 0 : i32
    %dma_wait3A_696 = tpu.memref_slice %arg4[%dma_wait3A_694, %dma_wait3A_695] : memref<256x512xf32, #tpu.memory_space<vmem_shared>> -> memref<2x512xf32, #tpu.memory_space<vmem_shared>>
    %dma_wait3A_697 = arith.constant 176 : i32
    %dma_wait3A_698 = arith.constant 0 : i32
    %dma_wait3A_699 = tpu.memref_slice %arg2[%dma_wait3A_697, %dma_wait3A_698] : memref<16384x512xf32, #tpu.memory_space<hbm>> -> memref<2x512xf32, #tpu.memory_space<hbm>>
    tpu.wait_dma2 semaphore(%arg9 : memref<!tpu.dma_semaphore, #tpu.memory_space<semaphore_mem>>) src(%dma_wait3A_699 : memref<2x512xf32, #tpu.memory_space<hbm>>) dst(%dma_wait3A_696 : memref<2x512xf32, #tpu.memory_space<vmem_shared>>)
    %dma_wait3A_700 = arith.constant 218 : i32
    %dma_wait3A_701 = arith.constant 0 : i32
    %dma_wait3A_702 = tpu.memref_slice %arg4[%dma_wait3A_700, %dma_wait3A_701] : memref<256x512xf32, #tpu.memory_space<vmem_shared>> -> memref<2x512xf32, #tpu.memory_space<vmem_shared>>
    %dma_wait3A_703 = arith.constant 180 : i32
    %dma_wait3A_704 = arith.constant 0 : i32
    %dma_wait3A_705 = tpu.memref_slice %arg2[%dma_wait3A_703, %dma_wait3A_704] : memref<16384x512xf32, #tpu.memory_space<hbm>> -> memref<2x512xf32, #tpu.memory_space<hbm>>
    tpu.wait_dma2 semaphore(%arg9 : memref<!tpu.dma_semaphore, #tpu.memory_space<semaphore_mem>>) src(%dma_wait3A_705 : memref<2x512xf32, #tpu.memory_space<hbm>>) dst(%dma_wait3A_702 : memref<2x512xf32, #tpu.memory_space<vmem_shared>>)
    %dma_wait3A_706 = arith.constant 220 : i32
    %dma_wait3A_707 = arith.constant 0 : i32
    %dma_wait3A_708 = tpu.memref_slice %arg4[%dma_wait3A_706, %dma_wait3A_707] : memref<256x512xf32, #tpu.memory_space<vmem_shared>> -> memref<2x512xf32, #tpu.memory_space<vmem_shared>>
    %dma_wait3A_709 = arith.constant 184 : i32
    %dma_wait3A_710 = arith.constant 0 : i32
    %dma_wait3A_711 = tpu.memref_slice %arg2[%dma_wait3A_709, %dma_wait3A_710] : memref<16384x512xf32, #tpu.memory_space<hbm>> -> memref<2x512xf32, #tpu.memory_space<hbm>>
    tpu.wait_dma2 semaphore(%arg9 : memref<!tpu.dma_semaphore, #tpu.memory_space<semaphore_mem>>) src(%dma_wait3A_711 : memref<2x512xf32, #tpu.memory_space<hbm>>) dst(%dma_wait3A_708 : memref<2x512xf32, #tpu.memory_space<vmem_shared>>)
    %dma_wait3A_712 = arith.constant 222 : i32
    %dma_wait3A_713 = arith.constant 0 : i32
    %dma_wait3A_714 = tpu.memref_slice %arg4[%dma_wait3A_712, %dma_wait3A_713] : memref<256x512xf32, #tpu.memory_space<vmem_shared>> -> memref<2x512xf32, #tpu.memory_space<vmem_shared>>
    %dma_wait3A_715 = arith.constant 188 : i32
    %dma_wait3A_716 = arith.constant 0 : i32
    %dma_wait3A_717 = tpu.memref_slice %arg2[%dma_wait3A_715, %dma_wait3A_716] : memref<16384x512xf32, #tpu.memory_space<hbm>> -> memref<2x512xf32, #tpu.memory_space<hbm>>
    tpu.wait_dma2 semaphore(%arg9 : memref<!tpu.dma_semaphore, #tpu.memory_space<semaphore_mem>>) src(%dma_wait3A_717 : memref<2x512xf32, #tpu.memory_space<hbm>>) dst(%dma_wait3A_714 : memref<2x512xf32, #tpu.memory_space<vmem_shared>>)
    %dma_start3A_718 = arith.constant 192 : i32
    %dma_start3A_719 = arith.constant 0 : i32
    %dma_start3A_720 = tpu.memref_slice %arg3[%dma_start3A_718, %dma_start3A_719] : memref<256x512xf32, #tpu.memory_space<hbm>> -> memref<32x512xf32, #tpu.memory_space<hbm>>
    %dma_start3A_721 = arith.constant 192 : i32
    %dma_start3A_722 = arith.constant 0 : i32
    %dma_start3A_723 = tpu.memref_slice %arg4[%dma_start3A_721, %dma_start3A_722] : memref<256x512xf32, #tpu.memory_space<vmem_shared>> -> memref<32x512xf32, #tpu.memory_space<vmem_shared>>
    tpu.enqueue_dma source(%dma_start3A_723 : memref<32x512xf32, #tpu.memory_space<vmem_shared>>) target(%dma_start3A_720 : memref<32x512xf32, #tpu.memory_space<hbm>>) target_semaphore(%arg11 : memref<!tpu.dma_semaphore, #tpu.memory_space<semaphore_mem>>)
    %dma_wait3A_724 = arith.constant 224 : i32
    %dma_wait3A_725 = arith.constant 0 : i32
    %dma_wait3A_726 = tpu.memref_slice %arg4[%dma_wait3A_724, %dma_wait3A_725] : memref<256x512xf32, #tpu.memory_space<vmem_shared>> -> memref<2x512xf32, #tpu.memory_space<vmem_shared>>
    %dma_wait3A_727 = arith.constant 192 : i32
    %dma_wait3A_728 = arith.constant 0 : i32
    %dma_wait3A_729 = tpu.memref_slice %arg2[%dma_wait3A_727, %dma_wait3A_728] : memref<16384x512xf32, #tpu.memory_space<hbm>> -> memref<2x512xf32, #tpu.memory_space<hbm>>
    tpu.wait_dma2 semaphore(%arg10 : memref<!tpu.dma_semaphore, #tpu.memory_space<semaphore_mem>>) src(%dma_wait3A_729 : memref<2x512xf32, #tpu.memory_space<hbm>>) dst(%dma_wait3A_726 : memref<2x512xf32, #tpu.memory_space<vmem_shared>>)
    %dma_wait3A_730 = arith.constant 226 : i32
    %dma_wait3A_731 = arith.constant 0 : i32
    %dma_wait3A_732 = tpu.memref_slice %arg4[%dma_wait3A_730, %dma_wait3A_731] : memref<256x512xf32, #tpu.memory_space<vmem_shared>> -> memref<2x512xf32, #tpu.memory_space<vmem_shared>>
    %dma_wait3A_733 = arith.constant 196 : i32
    %dma_wait3A_734 = arith.constant 0 : i32
    %dma_wait3A_735 = tpu.memref_slice %arg2[%dma_wait3A_733, %dma_wait3A_734] : memref<16384x512xf32, #tpu.memory_space<hbm>> -> memref<2x512xf32, #tpu.memory_space<hbm>>
    tpu.wait_dma2 semaphore(%arg10 : memref<!tpu.dma_semaphore, #tpu.memory_space<semaphore_mem>>) src(%dma_wait3A_735 : memref<2x512xf32, #tpu.memory_space<hbm>>) dst(%dma_wait3A_732 : memref<2x512xf32, #tpu.memory_space<vmem_shared>>)
    %dma_wait3A_736 = arith.constant 228 : i32
    %dma_wait3A_737 = arith.constant 0 : i32
    %dma_wait3A_738 = tpu.memref_slice %arg4[%dma_wait3A_736, %dma_wait3A_737] : memref<256x512xf32, #tpu.memory_space<vmem_shared>> -> memref<2x512xf32, #tpu.memory_space<vmem_shared>>
    %dma_wait3A_739 = arith.constant 200 : i32
    %dma_wait3A_740 = arith.constant 0 : i32
    %dma_wait3A_741 = tpu.memref_slice %arg2[%dma_wait3A_739, %dma_wait3A_740] : memref<16384x512xf32, #tpu.memory_space<hbm>> -> memref<2x512xf32, #tpu.memory_space<hbm>>
    tpu.wait_dma2 semaphore(%arg10 : memref<!tpu.dma_semaphore, #tpu.memory_space<semaphore_mem>>) src(%dma_wait3A_741 : memref<2x512xf32, #tpu.memory_space<hbm>>) dst(%dma_wait3A_738 : memref<2x512xf32, #tpu.memory_space<vmem_shared>>)
    %dma_wait3A_742 = arith.constant 230 : i32
    %dma_wait3A_743 = arith.constant 0 : i32
    %dma_wait3A_744 = tpu.memref_slice %arg4[%dma_wait3A_742, %dma_wait3A_743] : memref<256x512xf32, #tpu.memory_space<vmem_shared>> -> memref<2x512xf32, #tpu.memory_space<vmem_shared>>
    %dma_wait3A_745 = arith.constant 204 : i32
    %dma_wait3A_746 = arith.constant 0 : i32
    %dma_wait3A_747 = tpu.memref_slice %arg2[%dma_wait3A_745, %dma_wait3A_746] : memref<16384x512xf32, #tpu.memory_space<hbm>> -> memref<2x512xf32, #tpu.memory_space<hbm>>
    tpu.wait_dma2 semaphore(%arg10 : memref<!tpu.dma_semaphore, #tpu.memory_space<semaphore_mem>>) src(%dma_wait3A_747 : memref<2x512xf32, #tpu.memory_space<hbm>>) dst(%dma_wait3A_744 : memref<2x512xf32, #tpu.memory_space<vmem_shared>>)
    %dma_wait3A_748 = arith.constant 232 : i32
    %dma_wait3A_749 = arith.constant 0 : i32
    %dma_wait3A_750 = tpu.memref_slice %arg4[%dma_wait3A_748, %dma_wait3A_749] : memref<256x512xf32, #tpu.memory_space<vmem_shared>> -> memref<2x512xf32, #tpu.memory_space<vmem_shared>>
    %dma_wait3A_751 = arith.constant 208 : i32
    %dma_wait3A_752 = arith.constant 0 : i32
    %dma_wait3A_753 = tpu.memref_slice %arg2[%dma_wait3A_751, %dma_wait3A_752] : memref<16384x512xf32, #tpu.memory_space<hbm>> -> memref<2x512xf32, #tpu.memory_space<hbm>>
    tpu.wait_dma2 semaphore(%arg10 : memref<!tpu.dma_semaphore, #tpu.memory_space<semaphore_mem>>) src(%dma_wait3A_753 : memref<2x512xf32, #tpu.memory_space<hbm>>) dst(%dma_wait3A_750 : memref<2x512xf32, #tpu.memory_space<vmem_shared>>)
    %dma_wait3A_754 = arith.constant 234 : i32
    %dma_wait3A_755 = arith.constant 0 : i32
    %dma_wait3A_756 = tpu.memref_slice %arg4[%dma_wait3A_754, %dma_wait3A_755] : memref<256x512xf32, #tpu.memory_space<vmem_shared>> -> memref<2x512xf32, #tpu.memory_space<vmem_shared>>
    %dma_wait3A_757 = arith.constant 212 : i32
    %dma_wait3A_758 = arith.constant 0 : i32
    %dma_wait3A_759 = tpu.memref_slice %arg2[%dma_wait3A_757, %dma_wait3A_758] : memref<16384x512xf32, #tpu.memory_space<hbm>> -> memref<2x512xf32, #tpu.memory_space<hbm>>
    tpu.wait_dma2 semaphore(%arg10 : memref<!tpu.dma_semaphore, #tpu.memory_space<semaphore_mem>>) src(%dma_wait3A_759 : memref<2x512xf32, #tpu.memory_space<hbm>>) dst(%dma_wait3A_756 : memref<2x512xf32, #tpu.memory_space<vmem_shared>>)
    %dma_wait3A_760 = arith.constant 236 : i32
    %dma_wait3A_761 = arith.constant 0 : i32
    %dma_wait3A_762 = tpu.memref_slice %arg4[%dma_wait3A_760, %dma_wait3A_761] : memref<256x512xf32, #tpu.memory_space<vmem_shared>> -> memref<2x512xf32, #tpu.memory_space<vmem_shared>>
    %dma_wait3A_763 = arith.constant 216 : i32
    %dma_wait3A_764 = arith.constant 0 : i32
    %dma_wait3A_765 = tpu.memref_slice %arg2[%dma_wait3A_763, %dma_wait3A_764] : memref<16384x512xf32, #tpu.memory_space<hbm>> -> memref<2x512xf32, #tpu.memory_space<hbm>>
    tpu.wait_dma2 semaphore(%arg10 : memref<!tpu.dma_semaphore, #tpu.memory_space<semaphore_mem>>) src(%dma_wait3A_765 : memref<2x512xf32, #tpu.memory_space<hbm>>) dst(%dma_wait3A_762 : memref<2x512xf32, #tpu.memory_space<vmem_shared>>)
    %dma_wait3A_766 = arith.constant 238 : i32
    %dma_wait3A_767 = arith.constant 0 : i32
    %dma_wait3A_768 = tpu.memref_slice %arg4[%dma_wait3A_766, %dma_wait3A_767] : memref<256x512xf32, #tpu.memory_space<vmem_shared>> -> memref<2x512xf32, #tpu.memory_space<vmem_shared>>
    %dma_wait3A_769 = arith.constant 220 : i32
    %dma_wait3A_770 = arith.constant 0 : i32
    %dma_wait3A_771 = tpu.memref_slice %arg2[%dma_wait3A_769, %dma_wait3A_770] : memref<16384x512xf32, #tpu.memory_space<hbm>> -> memref<2x512xf32, #tpu.memory_space<hbm>>
    tpu.wait_dma2 semaphore(%arg10 : memref<!tpu.dma_semaphore, #tpu.memory_space<semaphore_mem>>) src(%dma_wait3A_771 : memref<2x512xf32, #tpu.memory_space<hbm>>) dst(%dma_wait3A_768 : memref<2x512xf32, #tpu.memory_space<vmem_shared>>)
    %dma_wait3A_772 = arith.constant 240 : i32
    %dma_wait3A_773 = arith.constant 0 : i32
    %dma_wait3A_774 = tpu.memref_slice %arg4[%dma_wait3A_772, %dma_wait3A_773] : memref<256x512xf32, #tpu.memory_space<vmem_shared>> -> memref<2x512xf32, #tpu.memory_space<vmem_shared>>
    %dma_wait3A_775 = arith.constant 224 : i32
    %dma_wait3A_776 = arith.constant 0 : i32
    %dma_wait3A_777 = tpu.memref_slice %arg2[%dma_wait3A_775, %dma_wait3A_776] : memref<16384x512xf32, #tpu.memory_space<hbm>> -> memref<2x512xf32, #tpu.memory_space<hbm>>
    tpu.wait_dma2 semaphore(%arg10 : memref<!tpu.dma_semaphore, #tpu.memory_space<semaphore_mem>>) src(%dma_wait3A_777 : memref<2x512xf32, #tpu.memory_space<hbm>>) dst(%dma_wait3A_774 : memref<2x512xf32, #tpu.memory_space<vmem_shared>>)
    %dma_wait3A_778 = arith.constant 242 : i32
    %dma_wait3A_779 = arith.constant 0 : i32
    %dma_wait3A_780 = tpu.memref_slice %arg4[%dma_wait3A_778, %dma_wait3A_779] : memref<256x512xf32, #tpu.memory_space<vmem_shared>> -> memref<2x512xf32, #tpu.memory_space<vmem_shared>>
    %dma_wait3A_781 = arith.constant 228 : i32
    %dma_wait3A_782 = arith.constant 0 : i32
    %dma_wait3A_783 = tpu.memref_slice %arg2[%dma_wait3A_781, %dma_wait3A_782] : memref<16384x512xf32, #tpu.memory_space<hbm>> -> memref<2x512xf32, #tpu.memory_space<hbm>>
    tpu.wait_dma2 semaphore(%arg10 : memref<!tpu.dma_semaphore, #tpu.memory_space<semaphore_mem>>) src(%dma_wait3A_783 : memref<2x512xf32, #tpu.memory_space<hbm>>) dst(%dma_wait3A_780 : memref<2x512xf32, #tpu.memory_space<vmem_shared>>)
    %dma_wait3A_784 = arith.constant 244 : i32
    %dma_wait3A_785 = arith.constant 0 : i32
    %dma_wait3A_786 = tpu.memref_slice %arg4[%dma_wait3A_784, %dma_wait3A_785] : memref<256x512xf32, #tpu.memory_space<vmem_shared>> -> memref<2x512xf32, #tpu.memory_space<vmem_shared>>
    %dma_wait3A_787 = arith.constant 232 : i32
    %dma_wait3A_788 = arith.constant 0 : i32
    %dma_wait3A_789 = tpu.memref_slice %arg2[%dma_wait3A_787, %dma_wait3A_788] : memref<16384x512xf32, #tpu.memory_space<hbm>> -> memref<2x512xf32, #tpu.memory_space<hbm>>
    tpu.wait_dma2 semaphore(%arg10 : memref<!tpu.dma_semaphore, #tpu.memory_space<semaphore_mem>>) src(%dma_wait3A_789 : memref<2x512xf32, #tpu.memory_space<hbm>>) dst(%dma_wait3A_786 : memref<2x512xf32, #tpu.memory_space<vmem_shared>>)
    %dma_wait3A_790 = arith.constant 246 : i32
    %dma_wait3A_791 = arith.constant 0 : i32
    %dma_wait3A_792 = tpu.memref_slice %arg4[%dma_wait3A_790, %dma_wait3A_791] : memref<256x512xf32, #tpu.memory_space<vmem_shared>> -> memref<2x512xf32, #tpu.memory_space<vmem_shared>>
    %dma_wait3A_793 = arith.constant 236 : i32
    %dma_wait3A_794 = arith.constant 0 : i32
    %dma_wait3A_795 = tpu.memref_slice %arg2[%dma_wait3A_793, %dma_wait3A_794] : memref<16384x512xf32, #tpu.memory_space<hbm>> -> memref<2x512xf32, #tpu.memory_space<hbm>>
    tpu.wait_dma2 semaphore(%arg10 : memref<!tpu.dma_semaphore, #tpu.memory_space<semaphore_mem>>) src(%dma_wait3A_795 : memref<2x512xf32, #tpu.memory_space<hbm>>) dst(%dma_wait3A_792 : memref<2x512xf32, #tpu.memory_space<vmem_shared>>)
    %dma_wait3A_796 = arith.constant 248 : i32
    %dma_wait3A_797 = arith.constant 0 : i32
    %dma_wait3A_798 = tpu.memref_slice %arg4[%dma_wait3A_796, %dma_wait3A_797] : memref<256x512xf32, #tpu.memory_space<vmem_shared>> -> memref<2x512xf32, #tpu.memory_space<vmem_shared>>
    %dma_wait3A_799 = arith.constant 240 : i32
    %dma_wait3A_800 = arith.constant 0 : i32
    %dma_wait3A_801 = tpu.memref_slice %arg2[%dma_wait3A_799, %dma_wait3A_800] : memref<16384x512xf32, #tpu.memory_space<hbm>> -> memref<2x512xf32, #tpu.memory_space<hbm>>
    tpu.wait_dma2 semaphore(%arg10 : memref<!tpu.dma_semaphore, #tpu.memory_space<semaphore_mem>>) src(%dma_wait3A_801 : memref<2x512xf32, #tpu.memory_space<hbm>>) dst(%dma_wait3A_798 : memref<2x512xf32, #tpu.memory_space<vmem_shared>>)
    %dma_wait3A_802 = arith.constant 250 : i32
    %dma_wait3A_803 = arith.constant 0 : i32
    %dma_wait3A_804 = tpu.memref_slice %arg4[%dma_wait3A_802, %dma_wait3A_803] : memref<256x512xf32, #tpu.memory_space<vmem_shared>> -> memref<2x512xf32, #tpu.memory_space<vmem_shared>>
    %dma_wait3A_805 = arith.constant 244 : i32
    %dma_wait3A_806 = arith.constant 0 : i32
    %dma_wait3A_807 = tpu.memref_slice %arg2[%dma_wait3A_805, %dma_wait3A_806] : memref<16384x512xf32, #tpu.memory_space<hbm>> -> memref<2x512xf32, #tpu.memory_space<hbm>>
    tpu.wait_dma2 semaphore(%arg10 : memref<!tpu.dma_semaphore, #tpu.memory_space<semaphore_mem>>) src(%dma_wait3A_807 : memref<2x512xf32, #tpu.memory_space<hbm>>) dst(%dma_wait3A_804 : memref<2x512xf32, #tpu.memory_space<vmem_shared>>)
    %dma_wait3A_808 = arith.constant 252 : i32
    %dma_wait3A_809 = arith.constant 0 : i32
    %dma_wait3A_810 = tpu.memref_slice %arg4[%dma_wait3A_808, %dma_wait3A_809] : memref<256x512xf32, #tpu.memory_space<vmem_shared>> -> memref<2x512xf32, #tpu.memory_space<vmem_shared>>
    %dma_wait3A_811 = arith.constant 248 : i32
    %dma_wait3A_812 = arith.constant 0 : i32
    %dma_wait3A_813 = tpu.memref_slice %arg2[%dma_wait3A_811, %dma_wait3A_812] : memref<16384x512xf32, #tpu.memory_space<hbm>> -> memref<2x512xf32, #tpu.memory_space<hbm>>
    tpu.wait_dma2 semaphore(%arg10 : memref<!tpu.dma_semaphore, #tpu.memory_space<semaphore_mem>>) src(%dma_wait3A_813 : memref<2x512xf32, #tpu.memory_space<hbm>>) dst(%dma_wait3A_810 : memref<2x512xf32, #tpu.memory_space<vmem_shared>>)
    %dma_wait3A_814 = arith.constant 254 : i32
    %dma_wait3A_815 = arith.constant 0 : i32
    %dma_wait3A_816 = tpu.memref_slice %arg4[%dma_wait3A_814, %dma_wait3A_815] : memref<256x512xf32, #tpu.memory_space<vmem_shared>> -> memref<2x512xf32, #tpu.memory_space<vmem_shared>>
    %dma_wait3A_817 = arith.constant 252 : i32
    %dma_wait3A_818 = arith.constant 0 : i32
    %dma_wait3A_819 = tpu.memref_slice %arg2[%dma_wait3A_817, %dma_wait3A_818] : memref<16384x512xf32, #tpu.memory_space<hbm>> -> memref<2x512xf32, #tpu.memory_space<hbm>>
    tpu.wait_dma2 semaphore(%arg10 : memref<!tpu.dma_semaphore, #tpu.memory_space<semaphore_mem>>) src(%dma_wait3A_819 : memref<2x512xf32, #tpu.memory_space<hbm>>) dst(%dma_wait3A_816 : memref<2x512xf32, #tpu.memory_space<vmem_shared>>)
    %dma_start3A_820 = arith.constant 224 : i32
    %dma_start3A_821 = arith.constant 0 : i32
    %dma_start3A_822 = tpu.memref_slice %arg3[%dma_start3A_820, %dma_start3A_821] : memref<256x512xf32, #tpu.memory_space<hbm>> -> memref<32x512xf32, #tpu.memory_space<hbm>>
    %dma_start3A_823 = arith.constant 224 : i32
    %dma_start3A_824 = arith.constant 0 : i32
    %dma_start3A_825 = tpu.memref_slice %arg4[%dma_start3A_823, %dma_start3A_824] : memref<256x512xf32, #tpu.memory_space<vmem_shared>> -> memref<32x512xf32, #tpu.memory_space<vmem_shared>>
    tpu.enqueue_dma source(%dma_start3A_825 : memref<32x512xf32, #tpu.memory_space<vmem_shared>>) target(%dma_start3A_822 : memref<32x512xf32, #tpu.memory_space<hbm>>) target_semaphore(%arg11 : memref<!tpu.dma_semaphore, #tpu.memory_space<semaphore_mem>>)
    %dma_wait3A_826 = arith.constant 0 : i32
    %dma_wait3A_827 = arith.constant 0 : i32
    %dma_wait3A_828 = tpu.memref_slice %arg3[%dma_wait3A_826, %dma_wait3A_827] : memref<256x512xf32, #tpu.memory_space<hbm>> -> memref<64x512xf32, #tpu.memory_space<hbm>>
    %dma_wait3A_829 = arith.constant 0 : i32
    %dma_wait3A_830 = arith.constant 0 : i32
    %dma_wait3A_831 = tpu.memref_slice %arg4[%dma_wait3A_829, %dma_wait3A_830] : memref<256x512xf32, #tpu.memory_space<vmem_shared>> -> memref<64x512xf32, #tpu.memory_space<vmem_shared>>
    tpu.wait_dma2 semaphore(%arg11 : memref<!tpu.dma_semaphore, #tpu.memory_space<semaphore_mem>>) src(%dma_wait3A_831 : memref<64x512xf32, #tpu.memory_space<vmem_shared>>) dst(%dma_wait3A_828 : memref<64x512xf32, #tpu.memory_space<hbm>>)
    %dma_wait3A_832 = arith.constant 64 : i32
    %dma_wait3A_833 = arith.constant 0 : i32
    %dma_wait3A_834 = tpu.memref_slice %arg3[%dma_wait3A_832, %dma_wait3A_833] : memref<256x512xf32, #tpu.memory_space<hbm>> -> memref<64x512xf32, #tpu.memory_space<hbm>>
    %dma_wait3A_835 = arith.constant 64 : i32
    %dma_wait3A_836 = arith.constant 0 : i32
    %dma_wait3A_837 = tpu.memref_slice %arg4[%dma_wait3A_835, %dma_wait3A_836] : memref<256x512xf32, #tpu.memory_space<vmem_shared>> -> memref<64x512xf32, #tpu.memory_space<vmem_shared>>
    tpu.wait_dma2 semaphore(%arg11 : memref<!tpu.dma_semaphore, #tpu.memory_space<semaphore_mem>>) src(%dma_wait3A_837 : memref<64x512xf32, #tpu.memory_space<vmem_shared>>) dst(%dma_wait3A_834 : memref<64x512xf32, #tpu.memory_space<hbm>>)
    %dma_wait3A_838 = arith.constant 128 : i32
    %dma_wait3A_839 = arith.constant 0 : i32
    %dma_wait3A_840 = tpu.memref_slice %arg3[%dma_wait3A_838, %dma_wait3A_839] : memref<256x512xf32, #tpu.memory_space<hbm>> -> memref<32x512xf32, #tpu.memory_space<hbm>>
    %dma_wait3A_841 = arith.constant 128 : i32
    %dma_wait3A_842 = arith.constant 0 : i32
    %dma_wait3A_843 = tpu.memref_slice %arg4[%dma_wait3A_841, %dma_wait3A_842] : memref<256x512xf32, #tpu.memory_space<vmem_shared>> -> memref<32x512xf32, #tpu.memory_space<vmem_shared>>
    tpu.wait_dma2 semaphore(%arg11 : memref<!tpu.dma_semaphore, #tpu.memory_space<semaphore_mem>>) src(%dma_wait3A_843 : memref<32x512xf32, #tpu.memory_space<vmem_shared>>) dst(%dma_wait3A_840 : memref<32x512xf32, #tpu.memory_space<hbm>>)
    %dma_wait3A_844 = arith.constant 160 : i32
    %dma_wait3A_845 = arith.constant 0 : i32
    %dma_wait3A_846 = tpu.memref_slice %arg3[%dma_wait3A_844, %dma_wait3A_845] : memref<256x512xf32, #tpu.memory_space<hbm>> -> memref<32x512xf32, #tpu.memory_space<hbm>>
    %dma_wait3A_847 = arith.constant 160 : i32
    %dma_wait3A_848 = arith.constant 0 : i32
    %dma_wait3A_849 = tpu.memref_slice %arg4[%dma_wait3A_847, %dma_wait3A_848] : memref<256x512xf32, #tpu.memory_space<vmem_shared>> -> memref<32x512xf32, #tpu.memory_space<vmem_shared>>
    tpu.wait_dma2 semaphore(%arg11 : memref<!tpu.dma_semaphore, #tpu.memory_space<semaphore_mem>>) src(%dma_wait3A_849 : memref<32x512xf32, #tpu.memory_space<vmem_shared>>) dst(%dma_wait3A_846 : memref<32x512xf32, #tpu.memory_space<hbm>>)
    %dma_wait3A_850 = arith.constant 192 : i32
    %dma_wait3A_851 = arith.constant 0 : i32
    %dma_wait3A_852 = tpu.memref_slice %arg3[%dma_wait3A_850, %dma_wait3A_851] : memref<256x512xf32, #tpu.memory_space<hbm>> -> memref<32x512xf32, #tpu.memory_space<hbm>>
    %dma_wait3A_853 = arith.constant 192 : i32
    %dma_wait3A_854 = arith.constant 0 : i32
    %dma_wait3A_855 = tpu.memref_slice %arg4[%dma_wait3A_853, %dma_wait3A_854] : memref<256x512xf32, #tpu.memory_space<vmem_shared>> -> memref<32x512xf32, #tpu.memory_space<vmem_shared>>
    tpu.wait_dma2 semaphore(%arg11 : memref<!tpu.dma_semaphore, #tpu.memory_space<semaphore_mem>>) src(%dma_wait3A_855 : memref<32x512xf32, #tpu.memory_space<vmem_shared>>) dst(%dma_wait3A_852 : memref<32x512xf32, #tpu.memory_space<hbm>>)
    %dma_wait3A_856 = arith.constant 224 : i32
    %dma_wait3A_857 = arith.constant 0 : i32
    %dma_wait3A_858 = tpu.memref_slice %arg3[%dma_wait3A_856, %dma_wait3A_857] : memref<256x512xf32, #tpu.memory_space<hbm>> -> memref<32x512xf32, #tpu.memory_space<hbm>>
    %dma_wait3A_859 = arith.constant 224 : i32
    %dma_wait3A_860 = arith.constant 0 : i32
    %dma_wait3A_861 = tpu.memref_slice %arg4[%dma_wait3A_859, %dma_wait3A_860] : memref<256x512xf32, #tpu.memory_space<vmem_shared>> -> memref<32x512xf32, #tpu.memory_space<vmem_shared>>
    tpu.wait_dma2 semaphore(%arg11 : memref<!tpu.dma_semaphore, #tpu.memory_space<semaphore_mem>>) src(%dma_wait3A_861 : memref<32x512xf32, #tpu.memory_space<vmem_shared>>) dst(%dma_wait3A_858 : memref<32x512xf32, #tpu.memory_space<hbm>>)
    return
  }
}

</mosaic_0001>

<sc_bundles>
// kernel: kernel.3.cloned.1.call-start
scs
__scs_entry_jumppad:
0x0: {  	(pc) =	sbr.rel $0x88, $3  }
0x1: {  	(tag) =	ssettag $0x0;
	lr =	simm.s32 $0x1  }
0x2: {  	[smem:$0x3F9F] =	sst lr;
	_ =	strace $0xD0000000  }
0x3: {  	_ = 	snop  }
0x4: {  	_ = 	snop  }
0x5: {  	_ = 	snop  }
0x6: {  	_ = 	snop  }
0x7: {  	_ = 	snop  }
__scs_overlays_trampoline_lowered:
0x8: {  	[smem:$0x3FAE] =	sst s0  }
0x9: {  	[smem:$0x3FAF] =	sst s1  }
0xa: {  	[smem:$0x3FB0] =	sst s2  }
0xb: {  	[smem:$0x3FB1] =	sst s3  }
0xc: {  	[smem:$0x3FB2] =	sst s4  }
0xd: {  	[smem:$0x3FB3] =	sst s5  }
0xe: {  	[smem:$0x3FB4] =	sst s6  }
0xf: {  	[smem:$0x3FB5] =	sst s7  }
0x10: {  	[smem:$0x3FB6] =	sst s8  }
0x11: {  	[smem:$0x3FB7] =	sst s9;
	s0 =	simm.s32 @!p0 $0x0  }
0x12: {  	s1 =	sld [smem:$0x3F9D];
	s0 =	simm.s32 @p0 $0x1  }
0x13: {  	[smem:$0x3FB8] =	sst s0;
	s0 =	simm.s32 @!p1 $0x0  }
0x14: {  	s2 =	sld [smem:$0x3F9C];
	s0 =	simm.s32 @p1 $0x1  }
0x15: {  	[smem:$0x3FB9] =	sst s0;
	s0 =	simm.s32 @!p2 $0x0  }
0x16: {  	s3 =	sld [smem:$0x3FDB];
	s0 =	simm.s32 @p2 $0x1  }
0x17: {  	s4 =	simm.s32 $0x1BF5;
	[smem:$0x3FBB] =	sst s0  }
0x18: {  	s0 =	sld [smem:$0x3F9E];
	_ =	swait.ge [sflag:s4], $0x0  }
0x19: {  	s7 =	sld [smem:$0x3F9F]  }
0x1a: {  	s8 =	sadd.s32 $0xFFFFE003, lr  }
0x1b: {  	s9 =	sadd.s32 $0xFFFFFEF7, lr;
	s5 =	simm.s32 $0xFFFFFFFF;
	p2 =	slt.u32 s8, $0xFFFFF086  }
0x1c: {  	p1 =	slt.u32 s9, $0xF7A;
	s5 =	simm.s32 @!p2 $0x0  }
0x1d: {  	s5 =	simm.s32 @p1 $0x1;
	p0 =	seq.s32 s7, s2  }
0x1e: {  	s7 =	smul.u32 @!p0 $0xF7A, s2;
	p2 =	seq.s32 @!p0 s5, $0x0  }
0x1f: {  	s9 =	smul.u32 $0xF7A, s1;
	s8 =	simm.s32 @!p0 $0x1BF5;
	p2 =	por !p2, p0  }
0x20: {  	[sflag:s8] =	ssyncset.s32 @!p0 $0xFFFFF086;
	s6 =	sadd.s32 @!p0 s3, s7;
	s7 =	simm.s32 @!p0 $0x108  }
0x21: {  	s3 =	sadd.s32 s3, s9;
	s6 =	sadd.s32 @!p0 $0x88, s6;
	s7 =	simm.s32 @p2 $0x1082  }
0x22: {  	[simem:s7], [sflag:s8] =	dma.local @!p0 [hbm:s6], $0xF7A  }
0x23: {  	s9 =	sor.u32 $0xD0000000, s2;
	s6 =	simm.s32 $0x108;
	_ =	swait.ge @!p0 [sflag:s8], $0x0  }
0x24: {  	s3 =	sadd.s32 $0x88, s3;
	s6 =	simm.s32 @!p1 $0x1082;
	[sflag:s4] =	ssyncset.s32 $0xFFFFF086  }
0x25: {  	[simem:s6], [sflag:s4] =	dma.local [hbm:s3], $0xF7A  }
0x26: {  	[smem:$0x3F9F] =	sst s1;
	(tag) =	ssettag s2;
	_ =	strace s9  }
0x27: {  	s1 =	sld [smem:$0x3FAF]  }
0x28: {  	s2 =	sld [smem:$0x3FB0]  }
0x29: {  	s4 =	sld [smem:$0x3FB2]  }
0x2a: {  	p0 =	seq.s32 s5, $0x0;
	s5 =	sld [smem:$0x3FB3]  }
0x2b: {  	s6 =	sld [smem:$0x3FB4]  }
0x2c: {  	s7 =	sld [smem:$0x3FB5]  }
0x2d: {  	s3 =	simm.s32 $0x108;
	s8 =	sld [smem:$0x3FB6]  }
0x2e: {  	s3 =	simm.s32 @!p0 $0x1082;
	s9 =	sld [smem:$0x3FB7]  }
0x2f: {  	lr =	sadd.s32 s0, s3;
	s0 =	sld [smem:$0x3FAE]  }
0x30: {  	s3 =	sld [smem:$0x3FB1]  }
0x31: {  	[smem:$0x3FBA] =	sst s10  }
0x32: {  	s10 =	sld [smem:$0x3FB8];
	_ =	sdelay $0x3  }
0x33: {  	p0 =	seq.s32 s10, $0x1;
	s10 =	sld [smem:$0x3FBA];
	_ =	sdelay $0x3  }
0x34: {  	[smem:$0x3FBA] =	sst s10  }
0x35: {  	s10 =	sld [smem:$0x3FB9];
	_ =	sdelay $0x3  }
0x36: {  	p1 =	seq.s32 s10, $0x1;
	s10 =	sld [smem:$0x3FBA];
	_ =	sdelay $0x3  }
0x37: {  	[smem:$0x3FBA] =	sst s10  }
0x38: {  	s10 =	sld [smem:$0x3FBB]  }
0x39: {  	_ = 	snop;
	(pc) =	sbr.ind lr, $3  }
0x3a: {  	_ = 	snop  }
0x3b: {  	_ = 	snop  }
0x3c: {  	p2 =	seq.s32 s10, $0x1;
	s10 =	sld [smem:$0x3FBA]  }
0x3d: {  	_ =	shalt  }
0x3e: {  	_ =	shalt  }
0x3f: {  	_ =	shalt  }
0x40: {  	_ =	shalt  }
0x41: {  	_ =	shalt  }
0x42: {  	_ =	shalt  }
0x43: {  	_ =	shalt  }
0x44: {  	_ =	shalt  }
0x45: {  	_ =	shalt  }
0x46: {  	_ =	shalt  }
0x47: {  	_ =	shalt  }
0x48: {  	_ =	shalt  }
0x49: {  	_ =	shalt  }
0x4a: {  	_ =	shalt  }
0x4b: {  	_ =	shalt  }
0x4c: {  	_ =	shalt  }
0x4d: {  	_ =	shalt  }
0x4e: {  	_ =	shalt  }
0x4f: {  	_ =	shalt  }
0x50: {  	_ =	shalt  }
0x51: {  	_ =	shalt  }
0x52: {  	_ =	shalt  }
0x53: {  	_ =	shalt  }
0x54: {  	_ =	shalt  }
0x55: {  	_ =	shalt  }
0x56: {  	_ =	shalt  }
0x57: {  	_ =	shalt  }
0x58: {  	_ =	shalt  }
0x59: {  	_ =	shalt  }
0x5a: {  	_ =	shalt  }
0x5b: {  	_ =	shalt  }
0x5c: {  	_ =	shalt  }
0x5d: {  	_ =	shalt  }
0x5e: {  	_ =	shalt  }
0x5f: {  	_ =	shalt  }
0x60: {  	_ =	shalt  }
0x61: {  	_ =	shalt  }
0x62: {  	_ =	shalt  }
0x63: {  	_ =	shalt  }
0x64: {  	_ =	shalt  }
0x65: {  	_ =	shalt  }
0x66: {  	_ =	shalt  }
0x67: {  	_ =	shalt  }
0x68: {  	_ =	shalt  }
0x69: {  	_ =	shalt  }
0x6a: {  	_ =	shalt  }
0x6b: {  	_ =	shalt  }
0x6c: {  	_ =	shalt  }
0x6d: {  	_ =	shalt  }
0x6e: {  	_ =	shalt  }
0x6f: {  	_ =	shalt  }
0x70: {  	_ =	shalt  }
0x71: {  	_ =	shalt  }
0x72: {  	_ =	shalt  }
0x73: {  	_ =	shalt  }
0x74: {  	_ =	shalt  }
0x75: {  	_ =	shalt  }
0x76: {  	_ =	shalt  }
0x77: {  	_ =	shalt  }
0x78: {  	_ =	shalt  }
0x79: {  	_ =	shalt  }
0x7a: {  	_ =	shalt  }
0x7b: {  	_ =	shalt  }
0x7c: {  	_ =	shalt  }
0x7d: {  	_ =	shalt  }
0x7e: {  	_ =	shalt  }
0x7f: {  	_ =	shalt  }
0x80: {  	_ =	shalt  }
0x81: {  	_ =	shalt  }
0x82: {  	_ =	shalt  }
0x83: {  	_ =	shalt  }
0x84: {  	_ =	shalt  }
0x85: {  	_ =	shalt  }
0x86: {  	_ =	shalt  }
0x87: {  	_ =	shalt  }
.Lfunc_end0:
.L_simem_size_0:
called_computation_lowered:
.L_overlay_start_0:
0x88: {  	s0 =	sld [smem:$0x3FD9]  }
0x89: {  	s1 =	sld [smem:$0x3FFE];
	_ =	sdelay $0x3  }
0x8a: {  	s0 =	sadd.s32 s1, s0  }
0x8b: {  	s9 =	simm.s32 $0x0;
	[smem:$0x3FC6] =	sst s0  }
0x8c: {  	[smem:$0xF] =	sst s9  }
0x8d: {  	s14 =	sld [smem:$0x3FC9]  }
0x8e: {  	s10 =	sld [smem:$0x3FC8]  }
0x8f: {  	s0 =	sld [smem:$0x3FD0];
	(tm) =	ssettm $0x1  }
0x90: {  	s2 =	sld [smem:$0x3FFB];
	_ =	sdelay $0x3  }
0x91: {  	_ =	strace s2  }
0x92: {  	s2 =	sld [smem:$0x3FFC];
	_ =	sdelay $0x2  }
0x93: {  	s15 =	simm.s32 $0x1B8B  }
0x94: {  	s16 =	simm.s32 $0x1B8E;
	s13 =	simm.s32 $0x9;
	_ =	strace s2  }
0x95: {  	s12 =	simm.s32 $0xA;
	s11 =	simm.s32 $0x1000;
	s2 =	sld [smem:$0x3FFD]  }
0x96: {  	s8 =	simm.s32 $0xB;
	s6 =	simm.s32 $0x2000;
	s18 =	simm.s32 $0x2020  }
0x97: {  	s20 =	simm.s32 $0x2040;
	s22 =	simm.s32 $0x2060;
	s24 =	simm.s32 $0x2200  }
0x98: {  	s26 =	simm.s32 $0x2220;
	s29 =	simm.s32 $0x2240;
	s31 =	simm.s32 $0x2260  }
0x99: {  	s4 =	simm.s32 $0x2400;
	s7 =	simm.s32 $0x2420;
	_ =	strace s2  }
0x9a: {  	s1 =	sadd.s32 $0x1000, s14;
	s17 =	sadd.s32 $0x40, s10;
	_ =	strace $0x8FFFFFFF  }
0x9b: {  	s19 =	sadd.s32 $0x200, s10;
	s21 =	sadd.s32 $0x240, s10;
	_ =	swait.ge [sflag:s15], $0x1  }
0x9c: {  	s23 =	sadd.s32 $0x400, s10;
	s25 =	sadd.s32 $0x440, s10;
	[sflag:s15] =	ssyncset.done $0x0  }
0x9d: {  	s28 =	sadd.s32 $0x600, s10;
	s30 =	sadd.s32 $0x640, s10;
	[sflag:s15] =	ssyncadd.s32 $0xFFFFFFFF  }
0x9e: {  	s3 =	sadd.s32 $0x800, s10;
	s5 =	sadd.s32 $0x840, s10;
	[smem:$0x3FD2] =	sst s16  }
0x9f: {  	s2 =	sadd.s32 $0x1200, s10;
	s15 =	simm.s32 $0x80;
	_ =	strace $0x80000046  }
0xa0: {  	[spmem:s9], [sflag:s13] =	dma.local [hbm:s14], $0x1000  }
0xa1: {  	[spmem:s11], [sflag:s12] =	dma.local [hbm:s1], $0x1000  }
0xa2: {  	s16 =	sadd.s32 $0xA00, s10;
	s14 =	simm.s32 $0x2;
	s1 =	simm.s32 $0x3800  }
0xa3: {  	[spmem:s6@s15], [sflag:s8] =	dma.strided [hbm:s10@s15], $0x80, s14, $0x10   }
0xa4: {  	[spmem:s18@s15], [sflag:s8] =	dma.strided [hbm:s17@s15], $0x80, s14, $0x10   }
0xa5: {  	[spmem:s20@s15], [sflag:s8] =	dma.strided [hbm:s19@s15], $0x80, s14, $0x10   }
0xa6: {  	s17 =	simm.s32 $0x2440;
	s18 =	sadd.s32 $0xA40, s10;
	s19 =	simm.s32 $0x2460  }
0xa7: {  	[spmem:s22@s15], [sflag:s8] =	dma.strided [hbm:s21@s15], $0x80, s14, $0x10   }
0xa8: {  	s20 =	sadd.s32 $0xC00, s10;
	s21 =	simm.s32 $0x2600;
	s22 =	sadd.s32 $0xC40, s10  }
0xa9: {  	[spmem:s24@s15], [sflag:s8] =	dma.strided [hbm:s23@s15], $0x80, s14, $0x10   }
0xaa: {  	[spmem:s26@s15], [sflag:s8] =	dma.strided [hbm:s25@s15], $0x80, s14, $0x10   }
0xab: {  	s23 =	simm.s32 $0x2620;
	s24 =	sadd.s32 $0xE00, s10;
	s25 =	simm.s32 $0x2640  }
0xac: {  	[spmem:s29@s15], [sflag:s8] =	dma.strided [hbm:s28@s15], $0x80, s14, $0x10   }
0xad: {  	s26 =	sadd.s32 $0xE40, s10;
	s28 =	simm.s32 $0x2660;
	s29 =	sadd.s32 $0x1000, s10  }
0xae: {  	[spmem:s31@s15], [sflag:s8] =	dma.strided [hbm:s30@s15], $0x80, s14, $0x10   }
0xaf: {  	[spmem:s4@s15], [sflag:s8] =	dma.strided [hbm:s3@s15], $0x80, s14, $0x10   }
0xb0: {  	s30 =	sadd.s32 $0x1040, s10;
	s31 =	simm.s32 $0x2820;
	s4 =	simm.s32 $0x2800  }
0xb1: {  	[spmem:s7@s15], [sflag:s8] =	dma.strided [hbm:s5@s15], $0x80, s14, $0x10   }
0xb2: {  	s3 =	simm.s32 $0x2840;
	s7 =	simm.s32 $0xC;
	s5 =	sadd.s32 $0x1240, s10  }
0xb3: {  	[spmem:s17@s15], [sflag:s8] =	dma.strided [hbm:s16@s15], $0x80, s14, $0x10   }
0xb4: {  	[spmem:s19@s15], [sflag:s8] =	dma.strided [hbm:s18@s15], $0x80, s14, $0x10   }
0xb5: {  	s16 =	simm.s32 $0x2860;
	s17 =	sadd.s32 $0x1400, s10;
	s18 =	simm.s32 $0x2A00  }
0xb6: {  	[spmem:s21@s15], [sflag:s8] =	dma.strided [hbm:s20@s15], $0x80, s14, $0x10   }
0xb7: {  	s19 =	sadd.s32 $0x1440, s10;
	s20 =	simm.s32 $0x2A20;
	s21 =	sadd.s32 $0x1600, s10  }
0xb8: {  	[spmem:s23@s15], [sflag:s8] =	dma.strided [hbm:s22@s15], $0x80, s14, $0x10   }
0xb9: {  	[spmem:s25@s15], [sflag:s8] =	dma.strided [hbm:s24@s15], $0x80, s14, $0x10   }
0xba: {  	s22 =	simm.s32 $0x2A40;
	s23 =	sadd.s32 $0x1640, s10;
	s24 =	simm.s32 $0x2A60  }
0xbb: {  	[spmem:s28@s15], [sflag:s8] =	dma.strided [hbm:s26@s15], $0x80, s14, $0x10   }
0xbc: {  	s25 =	sadd.s32 $0x1800, s10;
	s26 =	simm.s32 $0x2C00;
	s28 =	sadd.s32 $0x1840, s10  }
0xbd: {  	[spmem:s4@s15], [sflag:s7] =	dma.strided [hbm:s29@s15], $0x80, s14, $0x10   }
0xbe: {  	[spmem:s31@s15], [sflag:s7] =	dma.strided [hbm:s30@s15], $0x80, s14, $0x10   }
0xbf: {  	s29 =	simm.s32 $0x2C20;
	s30 =	sadd.s32 $0x1A00, s10;
	s31 =	simm.s32 $0x2C40  }
0xc0: {  	[spmem:s3@s15], [sflag:s7] =	dma.strided [hbm:s2@s15], $0x80, s14, $0x10   }
0xc1: {  	[spmem:s16@s15], [sflag:s7] =	dma.strided [hbm:s5@s15], $0x80, s14, $0x10   }
0xc2: {  	s2 =	sadd.s32 $0x1A40, s10;
	s3 =	simm.s32 $0x2C60;
	s5 =	sadd.s32 $0x1C00, s10  }
0xc3: {  	[spmem:s18@s15], [sflag:s7] =	dma.strided [hbm:s17@s15], $0x80, s14, $0x10   }
0xc4: {  	s16 =	simm.s32 $0x2E00;
	s17 =	sadd.s32 $0x1C40, s10;
	s18 =	simm.s32 $0x2E20  }
0xc5: {  	[spmem:s20@s15], [sflag:s7] =	dma.strided [hbm:s19@s15], $0x80, s14, $0x10   }
0xc6: {  	[spmem:s22@s15], [sflag:s7] =	dma.strided [hbm:s21@s15], $0x80, s14, $0x10   }
0xc7: {  	s19 =	sadd.s32 $0x1E00, s10;
	s20 =	simm.s32 $0x2E40;
	s21 =	sadd.s32 $0x1E40, s10  }
0xc8: {  	[spmem:s24@s15], [sflag:s7] =	dma.strided [hbm:s23@s15], $0x80, s14, $0x10   }
0xc9: {  	s22 =	simm.s32 $0x2E60;
	s23 =	sadd.s32 $0x2000, s10;
	s24 =	sadd.s32 $0x2040, s10  }
0xca: {  	[spmem:s26@s15], [sflag:s7] =	dma.strided [hbm:s25@s15], $0x80, s14, $0x10   }
0xcb: {  	[spmem:s29@s15], [sflag:s7] =	dma.strided [hbm:s28@s15], $0x80, s14, $0x10   }
0xcc: {  	s25 =	sadd.s32 $0x2200, s10;
	s26 =	simm.s32 $0x3040;
	s28 =	sadd.s32 $0x2240, s10  }
0xcd: {  	[spmem:s31@s15], [sflag:s7] =	dma.strided [hbm:s30@s15], $0x80, s14, $0x10   }
0xce: {  	s29 =	simm.s32 $0x3060;
	s30 =	sadd.s32 $0x2400, s10;
	s31 =	simm.s32 $0x3200  }
0xcf: {  	[spmem:s3@s15], [sflag:s7] =	dma.strided [hbm:s2@s15], $0x80, s14, $0x10   }
0xd0: {  	[spmem:s16@s15], [sflag:s7] =	dma.strided [hbm:s5@s15], $0x80, s14, $0x10   }
0xd1: {  	s2 =	simm.s32 $0x3000;
	s3 =	simm.s32 $0x3020;
	s5 =	simm.s32 $0xD  }
0xd2: {  	[spmem:s18@s15], [sflag:s7] =	dma.strided [hbm:s17@s15], $0x80, s14, $0x10   }
0xd3: {  	s16 =	simm.s32 $0x3220;
	s17 =	sadd.s32 $0x2600, s10;
	s18 =	simm.s32 $0x3240  }
0xd4: {  	[spmem:s20@s15], [sflag:s7] =	dma.strided [hbm:s19@s15], $0x80, s14, $0x10   }
0xd5: {  	[spmem:s22@s15], [sflag:s7] =	dma.strided [hbm:s21@s15], $0x80, s14, $0x10   }
0xd6: {  	s19 =	sadd.s32 $0x2640, s10;
	s20 =	simm.s32 $0x3260;
	s21 =	sadd.s32 $0x2800, s10  }
0xd7: {  	[spmem:s2@s15], [sflag:s5] =	dma.strided [hbm:s23@s15], $0x80, s14, $0x10   }
0xd8: {  	[spmem:s3@s15], [sflag:s5] =	dma.strided [hbm:s24@s15], $0x80, s14, $0x10   }
0xd9: {  	s22 =	simm.s32 $0x3400;
	s23 =	sadd.s32 $0x2840, s10;
	s3 =	sadd.s32 $0x2440, s10  }
0xda: {  	[spmem:s26@s15], [sflag:s5] =	dma.strided [hbm:s25@s15], $0x80, s14, $0x10   }
0xdb: {  	s24 =	simm.s32 $0x3420;
	s25 =	sadd.s32 $0x2A00, s10;
	s26 =	simm.s32 $0x3440  }
0xdc: {  	[spmem:s29@s15], [sflag:s5] =	dma.strided [hbm:s28@s15], $0x80, s14, $0x10   }
0xdd: {  	[spmem:s31@s15], [sflag:s5] =	dma.strided [hbm:s30@s15], $0x80, s14, $0x10   }
0xde: {  	s28 =	sadd.s32 $0x2A40, s10;
	s29 =	simm.s32 $0x3460;
	s30 =	sadd.s32 $0x2C00, s10  }
0xdf: {  	[spmem:s16@s15], [sflag:s5] =	dma.strided [hbm:s3@s15], $0x80, s14, $0x10   }
0xe0: {  	s31 =	simm.s32 $0x3600;
	s16 =	sadd.s32 $0x2C40, s10;
	s3 =	simm.s32 $0xE  }
0xe1: {  	[spmem:s18@s15], [sflag:s5] =	dma.strided [hbm:s17@s15], $0x80, s14, $0x10   }
0xe2: {  	[spmem:s20@s15], [sflag:s5] =	dma.strided [hbm:s19@s15], $0x80, s14, $0x10   }
0xe3: {  	s17 =	simm.s32 $0x3620;
	s18 =	sadd.s32 $0x2E00, s10;
	s19 =	simm.s32 $0x3640  }
0xe4: {  	[spmem:s22@s15], [sflag:s5] =	dma.strided [hbm:s21@s15], $0x80, s14, $0x10   }
0xe5: {  	s20 =	sadd.s32 $0x2E40, s10;
	s21 =	simm.s32 $0x3660;
	s22 =	sadd.s32 $0x3040, s10  }
0xe6: {  	[spmem:s24@s15], [sflag:s5] =	dma.strided [hbm:s23@s15], $0x80, s14, $0x10   }
0xe7: {  	[spmem:s26@s15], [sflag:s5] =	dma.strided [hbm:s25@s15], $0x80, s14, $0x10   }
0xe8: {  	s23 =	sadd.s32 $0x3200, s10;
	s24 =	simm.s32 $0x3840;
	s25 =	sadd.s32 $0x3240, s10  }
0xe9: {  	[spmem:s29@s15], [sflag:s5] =	dma.strided [hbm:s28@s15], $0x80, s14, $0x10   }
0xea: {  	s26 =	simm.s32 $0x3860;
	s28 =	sadd.s32 $0x3400, s10;
	s29 =	simm.s32 $0x3A00  }
0xeb: {  	[spmem:s31@s15], [sflag:s5] =	dma.strided [hbm:s30@s15], $0x80, s14, $0x10   }
0xec: {  	[spmem:s17@s15], [sflag:s5] =	dma.strided [hbm:s16@s15], $0x80, s14, $0x10   }
0xed: {  	s30 =	sadd.s32 $0x3440, s10;
	s31 =	simm.s32 $0x3A20;
	s16 =	sadd.s32 $0x3000, s10  }
0xee: {  	[spmem:s19@s15], [sflag:s5] =	dma.strided [hbm:s18@s15], $0x80, s14, $0x10   }
0xef: {  	s17 =	simm.s32 $0x3820;
	s18 =	simm.s32 $0x3A40;
	s19 =	sadd.s32 $0x3640, s10  }
0xf0: {  	[spmem:s21@s15], [sflag:s5] =	dma.strided [hbm:s20@s15], $0x80, s14, $0x10   }
0xf1: {  	[spmem:s1@s15], [sflag:s3] =	dma.strided [hbm:s16@s15], $0x80, s14, $0x10   }
0xf2: {  	[spmem:s17@s15], [sflag:s3] =	dma.strided [hbm:s22@s15], $0x80, s14, $0x10   }
0xf3: {  	s20 =	simm.s32 $0x3A60;
	s21 =	sadd.s32 $0x3800, s10;
	s17 =	sadd.s32 $0x3600, s10  }
0xf4: {  	[spmem:s24@s15], [sflag:s3] =	dma.strided [hbm:s23@s15], $0x80, s14, $0x10   }
0xf5: {  	s22 =	simm.s32 $0x3C00;
	s23 =	sadd.s32 $0x3840, s10;
	s24 =	simm.s32 $0x3C20  }
0xf6: {  	[spmem:s26@s15], [sflag:s3] =	dma.strided [hbm:s25@s15], $0x80, s14, $0x10   }
0xf7: {  	[spmem:s29@s15], [sflag:s3] =	dma.strided [hbm:s28@s15], $0x80, s14, $0x10   }
0xf8: {  	s25 =	sadd.s32 $0x3A00, s10;
	s26 =	simm.s32 $0x3C40;
	s28 =	sadd.s32 $0x3A40, s10  }
0xf9: {  	[spmem:s31@s15], [sflag:s3] =	dma.strided [hbm:s30@s15], $0x80, s14, $0x10   }
0xfa: {  	s29 =	simm.s32 $0x3C60;
	s30 =	sadd.s32 $0x3C00, s10;
	s31 =	simm.s32 $0x3E00  }
0xfb: {  	[spmem:s18@s15], [sflag:s3] =	dma.strided [hbm:s17@s15], $0x80, s14, $0x10   }
0xfc: {  	[spmem:s20@s15], [sflag:s3] =	dma.strided [hbm:s19@s15], $0x80, s14, $0x10   }
0xfd: {  	s17 =	sadd.s32 $0x3C40, s10;
	s18 =	simm.s32 $0x3E20;
	s19 =	sadd.s32 $0x3E00, s10  }
0xfe: {  	[spmem:s22@s15], [sflag:s3] =	dma.strided [hbm:s21@s15], $0x80, s14, $0x10   }
0xff: {  	s20 =	simm.s32 $0x3E40;
	s10 =	sadd.s32 $0x3E40, s10;
	s21 =	simm.s32 $0x3E60  }
0x100: {  	[spmem:s24@s15], [sflag:s3] =	dma.strided [hbm:s23@s15], $0x80, s14, $0x10   }
0x101: {  	[spmem:s26@s15], [sflag:s3] =	dma.strided [hbm:s25@s15], $0x80, s14, $0x10   }
0x102: {  	[spmem:s29@s15], [sflag:s3] =	dma.strided [hbm:s28@s15], $0x80, s14, $0x10   }
0x103: {  	[spmem:s31@s15], [sflag:s3] =	dma.strided [hbm:s30@s15], $0x80, s14, $0x10   }
0x104: {  	[spmem:s18@s15], [sflag:s3] =	dma.strided [hbm:s17@s15], $0x80, s14, $0x10   }
0x105: {  	[spmem:s20@s15], [sflag:s3] =	dma.strided [hbm:s19@s15], $0x80, s14, $0x10   }
0x106: {  	[spmem:s21@s15], [sflag:s3] =	dma.strided [hbm:s10@s15], $0x80, s14, $0x10   }
0x107: {  	_ =	swait.ge [sflag:s13], $0x1000  }
0x108: {  	[sflag:s13] =	ssyncset.done $0x0  }
0x109: {  	[sflag:s13] =	ssyncadd.s32 $0xFFFFF000  }
0x10a: {  	s22 =	simm.s32 $0xF  }
0x10b: {  	[hbm:s0], [sflag:s22] =	dma.local [spmem:s9], $0x1000  }
0x10c: {  	_ =	swait.ge [sflag:s12], $0x1000  }
0x10d: {  	[sflag:s12] =	ssyncset.done $0x0  }
0x10e: {  	[sflag:s12] =	ssyncadd.s32 $0xFFFFF000  }
0x10f: {  	s23 =	sadd.s32 $0x1000, s0  }
0x110: {  	[hbm:s23], [sflag:s22] =	dma.local [spmem:s11], $0x1000  }
0x111: {  	_ =	swait.ge [sflag:s8], $0x80  }
0x112: {  	[sflag:s8] =	ssyncset.done $0x0  }
0x113: {  	[sflag:s8] =	ssyncadd.s32 $0xFFFFFF80;
	_ =	sdelay $0x2  }
0x114: {  	_ =	swait.ge [sflag:s8], $0x80  }
0x115: {  	[sflag:s8] =	ssyncset.done $0x0  }
0x116: {  	[sflag:s8] =	ssyncadd.s32 $0xFFFFFF80;
	_ =	sdelay $0x2  }
0x117: {  	_ =	swait.ge [sflag:s8], $0x80  }
0x118: {  	[sflag:s8] =	ssyncset.done $0x0  }
0x119: {  	[sflag:s8] =	ssyncadd.s32 $0xFFFFFF80;
	_ =	sdelay $0x2  }
0x11a: {  	_ =	swait.ge [sflag:s8], $0x80  }
0x11b: {  	[sflag:s8] =	ssyncset.done $0x0  }
0x11c: {  	[sflag:s8] =	ssyncadd.s32 $0xFFFFFF80;
	_ =	sdelay $0x2  }
0x11d: {  	_ =	swait.ge [sflag:s8], $0x80  }
0x11e: {  	[sflag:s8] =	ssyncset.done $0x0  }
0x11f: {  	[sflag:s8] =	ssyncadd.s32 $0xFFFFFF80;
	_ =	sdelay $0x2  }
0x120: {  	_ =	swait.ge [sflag:s8], $0x80  }
0x121: {  	[sflag:s8] =	ssyncset.done $0x0  }
0x122: {  	[sflag:s8] =	ssyncadd.s32 $0xFFFFFF80;
	_ =	sdelay $0x2  }
0x123: {  	_ =	swait.ge [sflag:s8], $0x80  }
0x124: {  	[sflag:s8] =	ssyncset.done $0x0  }
0x125: {  	[sflag:s8] =	ssyncadd.s32 $0xFFFFFF80;
	_ =	sdelay $0x2  }
0x126: {  	_ =	swait.ge [sflag:s8], $0x80  }
0x127: {  	[sflag:s8] =	ssyncset.done $0x0  }
0x128: {  	[sflag:s8] =	ssyncadd.s32 $0xFFFFFF80;
	_ =	sdelay $0x2  }
0x129: {  	_ =	swait.ge [sflag:s8], $0x80  }
0x12a: {  	[sflag:s8] =	ssyncset.done $0x0  }
0x12b: {  	[sflag:s8] =	ssyncadd.s32 $0xFFFFFF80;
	_ =	sdelay $0x2  }
0x12c: {  	_ =	swait.ge [sflag:s8], $0x80  }
0x12d: {  	[sflag:s8] =	ssyncset.done $0x0  }
0x12e: {  	[sflag:s8] =	ssyncadd.s32 $0xFFFFFF80;
	_ =	sdelay $0x2  }
0x12f: {  	_ =	swait.ge [sflag:s8], $0x80  }
0x130: {  	[sflag:s8] =	ssyncset.done $0x0  }
0x131: {  	[sflag:s8] =	ssyncadd.s32 $0xFFFFFF80;
	_ =	sdelay $0x2  }
0x132: {  	_ =	swait.ge [sflag:s8], $0x80  }
0x133: {  	[sflag:s8] =	ssyncset.done $0x0  }
0x134: {  	[sflag:s8] =	ssyncadd.s32 $0xFFFFFF80;
	_ =	sdelay $0x2  }
0x135: {  	_ =	swait.ge [sflag:s8], $0x80  }
0x136: {  	[sflag:s8] =	ssyncset.done $0x0  }
0x137: {  	[sflag:s8] =	ssyncadd.s32 $0xFFFFFF80;
	_ =	sdelay $0x2  }
0x138: {  	_ =	swait.ge [sflag:s8], $0x80  }
0x139: {  	[sflag:s8] =	ssyncset.done $0x0  }
0x13a: {  	[sflag:s8] =	ssyncadd.s32 $0xFFFFFF80;
	_ =	sdelay $0x2  }
0x13b: {  	_ =	swait.ge [sflag:s8], $0x80  }
0x13c: {  	[sflag:s8] =	ssyncset.done $0x0  }
0x13d: {  	[sflag:s8] =	ssyncadd.s32 $0xFFFFFF80;
	_ =	sdelay $0x2  }
0x13e: {  	_ =	swait.ge [sflag:s8], $0x80  }
0x13f: {  	[sflag:s8] =	ssyncset.done $0x0  }
0x140: {  	[sflag:s8] =	ssyncadd.s32 $0xFFFFFF80  }
0x141: {  	s24 =	sadd.s32 $0x2000, s0  }
0x142: {  	[hbm:s24], [sflag:s22] =	dma.local [spmem:s6], $0x800  }
0x143: {  	_ =	swait.ge [sflag:s7], $0x80  }
0x144: {  	[sflag:s7] =	ssyncset.done $0x0  }
0x145: {  	[sflag:s7] =	ssyncadd.s32 $0xFFFFFF80;
	_ =	sdelay $0x2  }
0x146: {  	_ =	swait.ge [sflag:s7], $0x80  }
0x147: {  	[sflag:s7] =	ssyncset.done $0x0  }
0x148: {  	[sflag:s7] =	ssyncadd.s32 $0xFFFFFF80;
	_ =	sdelay $0x2  }
0x149: {  	_ =	swait.ge [sflag:s7], $0x80  }
0x14a: {  	[sflag:s7] =	ssyncset.done $0x0  }
0x14b: {  	[sflag:s7] =	ssyncadd.s32 $0xFFFFFF80;
	_ =	sdelay $0x2  }
0x14c: {  	_ =	swait.ge [sflag:s7], $0x80  }
0x14d: {  	[sflag:s7] =	ssyncset.done $0x0  }
0x14e: {  	[sflag:s7] =	ssyncadd.s32 $0xFFFFFF80;
	_ =	sdelay $0x2  }
0x14f: {  	_ =	swait.ge [sflag:s7], $0x80  }
0x150: {  	[sflag:s7] =	ssyncset.done $0x0  }
0x151: {  	[sflag:s7] =	ssyncadd.s32 $0xFFFFFF80;
	_ =	sdelay $0x2  }
0x152: {  	_ =	swait.ge [sflag:s7], $0x80  }
0x153: {  	[sflag:s7] =	ssyncset.done $0x0  }
0x154: {  	[sflag:s7] =	ssyncadd.s32 $0xFFFFFF80;
	_ =	sdelay $0x2  }
0x155: {  	_ =	swait.ge [sflag:s7], $0x80  }
0x156: {  	[sflag:s7] =	ssyncset.done $0x0  }
0x157: {  	[sflag:s7] =	ssyncadd.s32 $0xFFFFFF80;
	_ =	sdelay $0x2  }
0x158: {  	_ =	swait.ge [sflag:s7], $0x80  }
0x159: {  	[sflag:s7] =	ssyncset.done $0x0  }
0x15a: {  	[sflag:s7] =	ssyncadd.s32 $0xFFFFFF80;
	_ =	sdelay $0x2  }
0x15b: {  	_ =	swait.ge [sflag:s7], $0x80  }
0x15c: {  	[sflag:s7] =	ssyncset.done $0x0  }
0x15d: {  	[sflag:s7] =	ssyncadd.s32 $0xFFFFFF80;
	_ =	sdelay $0x2  }
0x15e: {  	_ =	swait.ge [sflag:s7], $0x80  }
0x15f: {  	[sflag:s7] =	ssyncset.done $0x0  }
0x160: {  	[sflag:s7] =	ssyncadd.s32 $0xFFFFFF80;
	_ =	sdelay $0x2  }
0x161: {  	_ =	swait.ge [sflag:s7], $0x80  }
0x162: {  	[sflag:s7] =	ssyncset.done $0x0  }
0x163: {  	[sflag:s7] =	ssyncadd.s32 $0xFFFFFF80;
	_ =	sdelay $0x2  }
0x164: {  	_ =	swait.ge [sflag:s7], $0x80  }
0x165: {  	[sflag:s7] =	ssyncset.done $0x0  }
0x166: {  	[sflag:s7] =	ssyncadd.s32 $0xFFFFFF80;
	_ =	sdelay $0x2  }
0x167: {  	_ =	swait.ge [sflag:s7], $0x80  }
0x168: {  	[sflag:s7] =	ssyncset.done $0x0  }
0x169: {  	[sflag:s7] =	ssyncadd.s32 $0xFFFFFF80;
	_ =	sdelay $0x2  }
0x16a: {  	_ =	swait.ge [sflag:s7], $0x80  }
0x16b: {  	[sflag:s7] =	ssyncset.done $0x0  }
0x16c: {  	[sflag:s7] =	ssyncadd.s32 $0xFFFFFF80;
	_ =	sdelay $0x2  }
0x16d: {  	_ =	swait.ge [sflag:s7], $0x80  }
0x16e: {  	[sflag:s7] =	ssyncset.done $0x0  }
0x16f: {  	[sflag:s7] =	ssyncadd.s32 $0xFFFFFF80;
	_ =	sdelay $0x2  }
0x170: {  	_ =	swait.ge [sflag:s7], $0x80  }
0x171: {  	[sflag:s7] =	ssyncset.done $0x0  }
0x172: {  	[sflag:s7] =	ssyncadd.s32 $0xFFFFFF80  }
0x173: {  	s25 =	sadd.s32 $0x2800, s0  }
0x174: {  	[hbm:s25], [sflag:s22] =	dma.local [spmem:s4], $0x800  }
0x175: {  	_ =	swait.ge [sflag:s5], $0x80  }
0x176: {  	[sflag:s5] =	ssyncset.done $0x0  }
0x177: {  	[sflag:s5] =	ssyncadd.s32 $0xFFFFFF80;
	_ =	sdelay $0x2  }
0x178: {  	_ =	swait.ge [sflag:s5], $0x80  }
0x179: {  	[sflag:s5] =	ssyncset.done $0x0  }
0x17a: {  	[sflag:s5] =	ssyncadd.s32 $0xFFFFFF80;
	_ =	sdelay $0x2  }
0x17b: {  	_ =	swait.ge [sflag:s5], $0x80  }
0x17c: {  	[sflag:s5] =	ssyncset.done $0x0  }
0x17d: {  	[sflag:s5] =	ssyncadd.s32 $0xFFFFFF80;
	_ =	sdelay $0x2  }
0x17e: {  	_ =	swait.ge [sflag:s5], $0x80  }
0x17f: {  	[sflag:s5] =	ssyncset.done $0x0  }
0x180: {  	[sflag:s5] =	ssyncadd.s32 $0xFFFFFF80;
	_ =	sdelay $0x2  }
0x181: {  	_ =	swait.ge [sflag:s5], $0x80  }
0x182: {  	[sflag:s5] =	ssyncset.done $0x0  }
0x183: {  	[sflag:s5] =	ssyncadd.s32 $0xFFFFFF80;
	_ =	sdelay $0x2  }
0x184: {  	_ =	swait.ge [sflag:s5], $0x80  }
0x185: {  	[sflag:s5] =	ssyncset.done $0x0  }
0x186: {  	[sflag:s5] =	ssyncadd.s32 $0xFFFFFF80;
	_ =	sdelay $0x2  }
0x187: {  	_ =	swait.ge [sflag:s5], $0x80  }
0x188: {  	[sflag:s5] =	ssyncset.done $0x0  }
0x189: {  	[sflag:s5] =	ssyncadd.s32 $0xFFFFFF80;
	_ =	sdelay $0x2  }
0x18a: {  	_ =	swait.ge [sflag:s5], $0x80  }
0x18b: {  	[sflag:s5] =	ssyncset.done $0x0  }
0x18c: {  	[sflag:s5] =	ssyncadd.s32 $0xFFFFFF80;
	_ =	sdelay $0x2  }
0x18d: {  	_ =	swait.ge [sflag:s5], $0x80  }
0x18e: {  	[sflag:s5] =	ssyncset.done $0x0  }
0x18f: {  	[sflag:s5] =	ssyncadd.s32 $0xFFFFFF80;
	_ =	sdelay $0x2  }
0x190: {  	_ =	swait.ge [sflag:s5], $0x80  }
0x191: {  	[sflag:s5] =	ssyncset.done $0x0  }
0x192: {  	[sflag:s5] =	ssyncadd.s32 $0xFFFFFF80;
	_ =	sdelay $0x2  }
0x193: {  	_ =	swait.ge [sflag:s5], $0x80  }
0x194: {  	[sflag:s5] =	ssyncset.done $0x0  }
0x195: {  	[sflag:s5] =	ssyncadd.s32 $0xFFFFFF80;
	_ =	sdelay $0x2  }
0x196: {  	_ =	swait.ge [sflag:s5], $0x80  }
0x197: {  	[sflag:s5] =	ssyncset.done $0x0  }
0x198: {  	[sflag:s5] =	ssyncadd.s32 $0xFFFFFF80;
	_ =	sdelay $0x2  }
0x199: {  	_ =	swait.ge [sflag:s5], $0x80  }
0x19a: {  	[sflag:s5] =	ssyncset.done $0x0  }
0x19b: {  	[sflag:s5] =	ssyncadd.s32 $0xFFFFFF80;
	_ =	sdelay $0x2  }
0x19c: {  	_ =	swait.ge [sflag:s5], $0x80  }
0x19d: {  	[sflag:s5] =	ssyncset.done $0x0  }
0x19e: {  	[sflag:s5] =	ssyncadd.s32 $0xFFFFFF80;
	_ =	sdelay $0x2  }
0x19f: {  	_ =	swait.ge [sflag:s5], $0x80  }
0x1a0: {  	[sflag:s5] =	ssyncset.done $0x0  }
0x1a1: {  	[sflag:s5] =	ssyncadd.s32 $0xFFFFFF80;
	_ =	sdelay $0x2  }
0x1a2: {  	_ =	swait.ge [sflag:s5], $0x80  }
0x1a3: {  	[sflag:s5] =	ssyncset.done $0x0  }
0x1a4: {  	[sflag:s5] =	ssyncadd.s32 $0xFFFFFF80  }
0x1a5: {  	s26 =	sadd.s32 $0x3000, s0  }
0x1a6: {  	[hbm:s26], [sflag:s22] =	dma.local [spmem:s2], $0x800  }
0x1a7: {  	_ =	swait.ge [sflag:s3], $0x80  }
0x1a8: {  	[sflag:s3] =	ssyncset.done $0x0  }
0x1a9: {  	[sflag:s3] =	ssyncadd.s32 $0xFFFFFF80;
	_ =	sdelay $0x2  }
0x1aa: {  	_ =	swait.ge [sflag:s3], $0x80  }
0x1ab: {  	[sflag:s3] =	ssyncset.done $0x0  }
0x1ac: {  	[sflag:s3] =	ssyncadd.s32 $0xFFFFFF80;
	_ =	sdelay $0x2  }
0x1ad: {  	_ =	swait.ge [sflag:s3], $0x80  }
0x1ae: {  	[sflag:s3] =	ssyncset.done $0x0  }
0x1af: {  	[sflag:s3] =	ssyncadd.s32 $0xFFFFFF80;
	_ =	sdelay $0x2  }
0x1b0: {  	_ =	swait.ge [sflag:s3], $0x80  }
0x1b1: {  	[sflag:s3] =	ssyncset.done $0x0  }
0x1b2: {  	[sflag:s3] =	ssyncadd.s32 $0xFFFFFF80;
	_ =	sdelay $0x2  }
0x1b3: {  	_ =	swait.ge [sflag:s3], $0x80  }
0x1b4: {  	[sflag:s3] =	ssyncset.done $0x0  }
0x1b5: {  	[sflag:s3] =	ssyncadd.s32 $0xFFFFFF80;
	_ =	sdelay $0x2  }
0x1b6: {  	_ =	swait.ge [sflag:s3], $0x80  }
0x1b7: {  	[sflag:s3] =	ssyncset.done $0x0  }
0x1b8: {  	[sflag:s3] =	ssyncadd.s32 $0xFFFFFF80;
	_ =	sdelay $0x2  }
0x1b9: {  	_ =	swait.ge [sflag:s3], $0x80  }
0x1ba: {  	[sflag:s3] =	ssyncset.done $0x0  }
0x1bb: {  	[sflag:s3] =	ssyncadd.s32 $0xFFFFFF80;
	_ =	sdelay $0x2  }
0x1bc: {  	_ =	swait.ge [sflag:s3], $0x80  }
0x1bd: {  	[sflag:s3] =	ssyncset.done $0x0  }
0x1be: {  	[sflag:s3] =	ssyncadd.s32 $0xFFFFFF80;
	_ =	sdelay $0x2  }
0x1bf: {  	_ =	swait.ge [sflag:s3], $0x80  }
0x1c0: {  	[sflag:s3] =	ssyncset.done $0x0  }
0x1c1: {  	[sflag:s3] =	ssyncadd.s32 $0xFFFFFF80;
	_ =	sdelay $0x2  }
0x1c2: {  	_ =	swait.ge [sflag:s3], $0x80  }
0x1c3: {  	[sflag:s3] =	ssyncset.done $0x0  }
0x1c4: {  	[sflag:s3] =	ssyncadd.s32 $0xFFFFFF80;
	_ =	sdelay $0x2  }
0x1c5: {  	_ =	swait.ge [sflag:s3], $0x80  }
0x1c6: {  	[sflag:s3] =	ssyncset.done $0x0  }
0x1c7: {  	[sflag:s3] =	ssyncadd.s32 $0xFFFFFF80;
	_ =	sdelay $0x2  }
0x1c8: {  	_ =	swait.ge [sflag:s3], $0x80  }
0x1c9: {  	[sflag:s3] =	ssyncset.done $0x0  }
0x1ca: {  	[sflag:s3] =	ssyncadd.s32 $0xFFFFFF80;
	_ =	sdelay $0x2  }
0x1cb: {  	_ =	swait.ge [sflag:s3], $0x80  }
0x1cc: {  	[sflag:s3] =	ssyncset.done $0x0  }
0x1cd: {  	[sflag:s3] =	ssyncadd.s32 $0xFFFFFF80;
	_ =	sdelay $0x2  }
0x1ce: {  	_ =	swait.ge [sflag:s3], $0x80  }
0x1cf: {  	[sflag:s3] =	ssyncset.done $0x0  }
0x1d0: {  	[sflag:s3] =	ssyncadd.s32 $0xFFFFFF80;
	_ =	sdelay $0x2  }
0x1d1: {  	_ =	swait.ge [sflag:s3], $0x80  }
0x1d2: {  	[sflag:s3] =	ssyncset.done $0x0  }
0x1d3: {  	[sflag:s3] =	ssyncadd.s32 $0xFFFFFF80;
	_ =	sdelay $0x2  }
0x1d4: {  	_ =	swait.ge [sflag:s3], $0x80  }
0x1d5: {  	[sflag:s3] =	ssyncset.done $0x0  }
0x1d6: {  	[sflag:s3] =	ssyncadd.s32 $0xFFFFFF80  }
0x1d7: {  	s0 =	sadd.s32 $0x3800, s0  }
0x1d8: {  	[hbm:s0], [sflag:s22] =	dma.local [spmem:s1], $0x800  }
0x1d9: {  	_ =	swait.ge [sflag:s22], $0x1000  }
0x1da: {  	[sflag:s22] =	ssyncset.done $0x0  }
0x1db: {  	[sflag:s22] =	ssyncadd.s32 $0xFFFFF000;
	_ =	sdelay $0x2  }
0x1dc: {  	_ =	swait.ge [sflag:s22], $0x1000  }
0x1dd: {  	[sflag:s22] =	ssyncset.done $0x0  }
0x1de: {  	[sflag:s22] =	ssyncadd.s32 $0xFFFFF000;
	_ =	sdelay $0x2  }
0x1df: {  	_ =	swait.ge [sflag:s22], $0x800  }
0x1e0: {  	[sflag:s22] =	ssyncset.done $0x0  }
0x1e1: {  	[sflag:s22] =	ssyncadd.s32 $0xFFFFF800;
	_ =	sdelay $0x2  }
0x1e2: {  	_ =	swait.ge [sflag:s22], $0x800  }
0x1e3: {  	[sflag:s22] =	ssyncset.done $0x0  }
0x1e4: {  	[sflag:s22] =	ssyncadd.s32 $0xFFFFF800;
	_ =	sdelay $0x2  }
0x1e5: {  	_ =	swait.ge [sflag:s22], $0x800  }
0x1e6: {  	[sflag:s22] =	ssyncset.done $0x0  }
0x1e7: {  	[sflag:s22] =	ssyncadd.s32 $0xFFFFF800;
	_ =	sdelay $0x2  }
0x1e8: {  	_ =	swait.ge [sflag:s22], $0x800  }
0x1e9: {  	[sflag:s22] =	ssyncset.done $0x0  }
0x1ea: {  	[sflag:s22] =	ssyncadd.s32 $0xFFFFF800  }
0x1eb: {  	_ =	strace $0x90000046  }
0x1ec: {  	_ =	sfence  }
0x1ed: {  	s28 =	sld [smem:$0x0];
	_ =	sdelay $0x1  }
0x1ee: {  	s29 =	srdreg.scid  }
0x1ef: {  	s30 =	sshll.u32 s29, $0xD;
	s31 =	sshrl.u32 s29, $0x2  }
0x1f0: {  	s2 =	sand.u32 $0x4000, s30;
	s1 =	sand.u32 $0x1, s29;
	s0 =	sadd.s32 s31, s28  }
0x1f1: {  	s1 =	sor.u32 s2, s1;
	s0 =	sshll.u32 s0, $0x11  }
0x1f2: {  	s0 =	sor.u32 s0, s1  }
0x1f3: {  	s0 =	sadd.s32 $0x8F2B, s0;
	(pc) =	sbr.abs _section_cstart, $3  }
0x1f4: {  	[sflag:s0] =	ssyncadd.remote.s32 $0x1  }
0x1f5: {  	_ =	strace $0x9FFFFFFF  }
0x1f6: {  	(tm) =	ssettm $0x7FFFFFFF  }
0x1f7: {  	_ =	shalt  }

</sc_bundles>
